<compile_context>
chip_gen: v7x
topology: tpu7x:2x2x1
jax: 0.10.2.dev20260603
libtpu: 0.0.44.dev20260713+nightly
codegen_flags: <defaults>
</compile_context>

<pallas_src>
import jax
import jax.numpy as jnp
from jax import lax
from jax.experimental import pallas as pl
from jax.experimental.pallas import tpu as pltpu
from jax.experimental.pallas import tpu_sc as plsc

D_MODEL = 1024
D_EXPERT = 2048
N_EXPERTS = 8
EPS = 1e-6
LANES = 128
TB = 1024
M_BLK = 512
N_BLK = 24
BUF_ROWS = N_BLK * M_BLK
H_CHUNK = 512
N_H = D_EXPERT // H_CHUNK
NC, NS = 2, 16
N_WORKERS = NC * NS
SC_CHUNK = 128
MASK_HI = -65536


def _pack_rows(f32_rows):
    half = f32_rows.shape[1] // 2
    bits = lax.bitcast_convert_type(f32_rows, jnp.int32) + 32768
    lo = lax.shift_right_logical(bits[:, :half], 16)
    hi = jnp.bitwise_and(bits[:, half:], MASK_HI)
    return jnp.bitwise_or(hi, lo)


def _unpack_rows(i32_rows):
    lo = lax.bitcast_convert_type(
        lax.shift_left(i32_rows, 16), jnp.float32)
    hi = lax.bitcast_convert_type(
        jnp.bitwise_and(i32_rows, MASK_HI), jnp.float32)
    return jnp.concatenate([lo, hi], axis=1)
D_HALF = D_MODEL // 2


def _stage_a(x_ref, nw_ref, rw_ref, ltri_ref, xn_ref, meta_ref, cnt_ref,
             carry_ref):
    i = pl.program_id(0)

    @pl.when(i == 0)
    def _init():
        carry_ref[...] = jnp.zeros_like(carry_ref)

    xb = x_ref[...]
    var = jnp.mean(xb * xb, axis=1, keepdims=True)
    xn = xb * lax.rsqrt(var + EPS) * nw_ref[...]
    xn_ref[...] = _pack_rows(xn)
    logits = jnp.dot(xn, rw_ref[...], preferred_element_type=jnp.float32)
    lane = jax.lax.broadcasted_iota(jnp.int32, logits.shape, 1)
    valid = lane < N_EXPERTS
    masked = jnp.where(valid, logits, -1e30)
    mx = jnp.max(masked, axis=1, keepdims=True)
    ex = jnp.where(valid, jnp.exp(masked - mx), 0.0)
    probs = ex / jnp.sum(ex, axis=1, keepdims=True)
    m1 = jnp.max(probs, axis=1, keepdims=True)
    second = jnp.max(jnp.where(probs == m1, -1.0, probs), axis=1,
                     keepdims=True)
    keep = (probs == m1) | (probs == second)
    mf = jnp.where(keep, 1.0, 0.0)
    mcum = jnp.dot(ltri_ref[...], mf.astype(jnp.bfloat16),
                   preferred_element_type=jnp.float32) + carry_ref[...]
    lanef = lane.astype(jnp.float32)
    e0 = jnp.min(jnp.where(keep, lanef, 1e9), axis=1, keepdims=True)
    e1 = jnp.max(jnp.where(keep, lanef, -1.0), axis=1, keepdims=True)
    oh0 = lanef == e0
    oh1 = lanef == e1
    p0 = jnp.sum(jnp.where(oh0, probs, 0.0), axis=1, keepdims=True)
    p1 = jnp.sum(jnp.where(oh1, probs, 0.0), axis=1, keepdims=True)
    r0 = jnp.sum(jnp.where(oh0, mcum, 0.0), axis=1, keepdims=True)
    r1 = jnp.sum(jnp.where(oh1, mcum, 0.0), axis=1, keepdims=True)
    new_carry = carry_ref[...] + jnp.sum(mf, axis=0, keepdims=True)
    carry_ref[...] = new_carry
    cnt_ref[...] = new_carry
    meta = (jnp.where(lane == 0, r0, 0.0) + jnp.where(lane == 1, r1, 0.0)
            + jnp.where(lane == 2, e0, 0.0) + jnp.where(lane == 3, e1, 0.0)
            + jnp.where(lane == 4, p0, 0.0) + jnp.where(lane == 5, p1, 0.0))
    meta_ref[...] = meta


def _stage_a3(cnt_ref, meta_ref, pos0_ref, pos1_ref, bexp_ref, bnr_ref):
    cnt = cnt_ref[...]
    padded = jnp.floor((cnt + (M_BLK - 1)) * (1.0 / M_BLK)) * M_BLK
    rr = jax.lax.broadcasted_iota(jnp.int32, (LANES, LANES), 0)
    cc = jax.lax.broadcasted_iota(jnp.int32, (LANES, LANES), 1)
    ut = jnp.where(rr < cc, 1.0, 0.0)
    base = jnp.dot(padded, ut, preferred_element_type=jnp.float32)
    lane1 = jax.lax.broadcasted_iota(jnp.int32, (1, LANES), 1)

    meta = meta_ref[...]
    lane = jax.lax.broadcasted_iota(jnp.int32, meta.shape, 1)
    r0 = jnp.sum(jnp.where(lane == 0, meta, 0.0), axis=1, keepdims=True)
    r1 = jnp.sum(jnp.where(lane == 1, meta, 0.0), axis=1, keepdims=True)
    e0 = jnp.sum(jnp.where(lane == 2, meta, 0.0), axis=1, keepdims=True)
    e1 = jnp.sum(jnp.where(lane == 3, meta, 0.0), axis=1, keepdims=True)
    pos0 = r0
    pos1 = r1
    bexp = jnp.full((1, LANES), -1.0)
    bnr = jnp.zeros((1, LANES))
    bidx = lane1.astype(jnp.float32)
    for e in range(N_EXPERTS):
        one_e = jnp.where(lane1 == e, 1.0, 0.0)
        base_e = jnp.sum(one_e * base)
        cnt_e = jnp.sum(one_e * cnt)
        bs_e = base_e * (1.0 / M_BLK)
        pos0 = pos0 + jnp.where(e0 == e, base_e, 0.0)
        pos1 = pos1 + jnp.where(e1 == e, base_e, 0.0)
        bexp = bexp + jnp.where(bidx >= bs_e, 1.0, 0.0)
        nr_e = jnp.clip(cnt_e - (bidx - bs_e) * M_BLK, 0.0, float(M_BLK))
        bnr = bnr + jnp.where(bidx >= bs_e, nr_e - bnr, 0.0)
    pos0_ref[...] = pos0.astype(jnp.int32)
    pos1_ref[...] = pos1.astype(jnp.int32)
    bexp_ref[...] = jnp.clip(bexp, 0.0, N_EXPERTS - 1.0).astype(jnp.int32)
    bnr_ref[...] = bnr.astype(jnp.int32)


def _sc_scatter(xn, pos0, pos1):
    mesh = plsc.VectorSubcoreMesh(core_axis_name="c", subcore_axis_name="s")
    n_tok = xn.shape[0]
    per_w = n_tok // N_WORKERS

    def body(xn_hbm, p0_hbm, p1_hbm, buf_hbm, idx0_v, idx1_v, rows_v,
             sem0, sem1):
        wid = lax.axis_index("s") * NC + lax.axis_index("c")
        for k in range(per_w // SC_CHUNK):
            start = wid * per_w + k * SC_CHUNK
            pltpu.sync_copy(p0_hbm.at[pl.ds(start, SC_CHUNK)], idx0_v)
            pltpu.sync_copy(p1_hbm.at[pl.ds(start, SC_CHUNK)], idx1_v)
            pltpu.sync_copy(xn_hbm.at[pl.ds(start, SC_CHUNK)], rows_v)
            c0 = pltpu.async_copy(rows_v, buf_hbm.at[idx0_v], sem0)
            c1 = pltpu.async_copy(rows_v, buf_hbm.at[idx1_v], sem1)
            c0.wait()
            c1.wait()

    return pl.kernel(
        body,
        out_type=jax.ShapeDtypeStruct((BUF_ROWS, D_HALF), jnp.int32),
        mesh=mesh,
        scratch_types=[
            pltpu.VMEM((SC_CHUNK,), jnp.int32),
            pltpu.VMEM((SC_CHUNK,), jnp.int32),
            pltpu.VMEM((SC_CHUNK, D_HALF), jnp.int32),
            pltpu.SemaphoreType.DMA,
            pltpu.SemaphoreType.DMA,
        ],
    )(xn, pos0, pos1)


def _sc_gather(y, pos0, pos1):
    mesh = plsc.VectorSubcoreMesh(core_axis_name="c", subcore_axis_name="s")
    n_tok = pos0.shape[0]
    per_w = n_tok // N_WORKERS

    def body(y_hbm, p0_hbm, p1_hbm, y0_hbm, y1_hbm, idx_v, rows_v, sem):
        wid = lax.axis_index("s") * NC + lax.axis_index("c")
        for k in range(per_w // SC_CHUNK):
            start = wid * per_w + k * SC_CHUNK
            pltpu.sync_copy(p0_hbm.at[pl.ds(start, SC_CHUNK)], idx_v)
            pltpu.async_copy(y_hbm.at[idx_v], rows_v, sem).wait()
            pltpu.sync_copy(rows_v, y0_hbm.at[pl.ds(start, SC_CHUNK)])
            pltpu.sync_copy(p1_hbm.at[pl.ds(start, SC_CHUNK)], idx_v)
            pltpu.async_copy(y_hbm.at[idx_v], rows_v, sem).wait()
            pltpu.sync_copy(rows_v, y1_hbm.at[pl.ds(start, SC_CHUNK)])

    return pl.kernel(
        body,
        out_type=[
            jax.ShapeDtypeStruct((n_tok, D_HALF), jnp.int32),
            jax.ShapeDtypeStruct((n_tok, D_HALF), jnp.int32),
        ],
        mesh=mesh,
        scratch_types=[
            pltpu.VMEM((SC_CHUNK,), jnp.int32),
            pltpu.VMEM((SC_CHUNK, D_HALF), jnp.int32),
            pltpu.SemaphoreType.DMA,
        ],
    )(y, pos0, pos1)


def _stage_b(bexp_ref, bnr_ref, buf_ref, wg_ref, wu_ref, wd_ref, y_ref):
    b = pl.program_id(0)

    @pl.when(bnr_ref[b] > 0)
    def _compute():
        xb = _unpack_rows(buf_ref[...]).astype(jnp.bfloat16)
        acc = jnp.zeros((M_BLK, D_MODEL), jnp.float32)
        for h in range(0, D_EXPERT, H_CHUNK):
            g = jnp.dot(xb, wg_ref[0, :, h:h + H_CHUNK],
                        preferred_element_type=jnp.float32)
            u = jnp.dot(xb, wu_ref[0, :, h:h + H_CHUNK],
                        preferred_element_type=jnp.float32)
            hid = (g * jax.lax.logistic(g) * u).astype(jnp.bfloat16)
            acc = acc + jnp.dot(hid, wd_ref[0, h:h + H_CHUNK, :],
                                preferred_element_type=jnp.float32)
        y_ref[...] = _pack_rows(acc)


def _stage_c(x_ref, y0_ref, y1_ref, meta_ref, out_ref):
    meta = meta_ref[...]
    lane = jax.lax.broadcasted_iota(jnp.int32, meta.shape, 1)
    p0 = jnp.sum(jnp.where(lane == 4, meta, 0.0), axis=1, keepdims=True)
    p1 = jnp.sum(jnp.where(lane == 5, meta, 0.0), axis=1, keepdims=True)
    y0 = _unpack_rows(y0_ref[...])
    y1 = _unpack_rows(y1_ref[...])
    out_ref[...] = x_ref[...] + p0 * y0 + p1 * y1


def kernel(x, norm_w, router_w, Wg, Wu, Wd):
    b, s, d = x.shape
    n_tok = b * s
    x_flat = x.reshape(n_tok, d)
    nw = norm_w.reshape(1, d)
    rw_pad = jnp.zeros((d, LANES), jnp.float32).at[:, :N_EXPERTS].set(router_w)
    rr = jax.lax.broadcasted_iota(jnp.int32, (TB, TB), 0)
    cc = jax.lax.broadcasted_iota(jnp.int32, (TB, TB), 1)
    ltri = jnp.where(rr > cc, 1.0, 0.0).astype(jnp.bfloat16)

    n_tb = n_tok // TB
    xn, meta, cnt = pl.pallas_call(
        _stage_a,
        grid=(n_tb,),
        in_specs=[
            pl.BlockSpec((TB, d), lambda i: (i, 0)),
            pl.BlockSpec((1, d), lambda i: (0, 0)),
            pl.BlockSpec((d, LANES), lambda i: (0, 0)),
            pl.BlockSpec((TB, TB), lambda i: (0, 0)),
        ],
        out_specs=[
            pl.BlockSpec((TB, D_HALF), lambda i: (i, 0)),
            pl.BlockSpec((TB, LANES), lambda i: (i, 0)),
            pl.BlockSpec((1, LANES), lambda i: (0, 0)),
        ],
        out_shape=[
            jax.ShapeDtypeStruct((n_tok, D_HALF), jnp.int32),
            jax.ShapeDtypeStruct((n_tok, LANES), jnp.float32),
            jax.ShapeDtypeStruct((1, LANES), jnp.float32),
        ],
        scratch_shapes=[pltpu.VMEM((1, LANES), jnp.float32)],
        compiler_params=pltpu.CompilerParams(
            dimension_semantics=("arbitrary",)),
    )(x_flat, nw, rw_pad, ltri)

    pos0, pos1, bexp, bnr = pl.pallas_call(
        _stage_a3,
        grid=(n_tb,),
        in_specs=[
            pl.BlockSpec((1, LANES), lambda i: (0, 0)),
            pl.BlockSpec((TB, LANES), lambda i: (i, 0)),
        ],
        out_specs=[
            pl.BlockSpec((TB, 1), lambda i: (i, 0)),
            pl.BlockSpec((TB, 1), lambda i: (i, 0)),
            pl.BlockSpec((1, LANES), lambda i: (0, 0)),
            pl.BlockSpec((1, LANES), lambda i: (0, 0)),
        ],
        out_shape=[
            jax.ShapeDtypeStruct((n_tok, 1), jnp.int32),
            jax.ShapeDtypeStruct((n_tok, 1), jnp.int32),
            jax.ShapeDtypeStruct((1, LANES), jnp.int32),
            jax.ShapeDtypeStruct((1, LANES), jnp.int32),
        ],
        compiler_params=pltpu.CompilerParams(
            dimension_semantics=("arbitrary",)),
    )(cnt, meta)

    pos0_f = pos0.reshape(n_tok)
    pos1_f = pos1.reshape(n_tok)
    buf = _sc_scatter(xn, pos0_f, pos1_f)

    bexp_s = bexp.reshape(LANES)[:N_BLK]
    bnr_s = bnr.reshape(LANES)[:N_BLK]
    wg16 = Wg.astype(jnp.bfloat16)
    wu16 = Wu.astype(jnp.bfloat16)
    wd16 = Wd.astype(jnp.bfloat16)

    y = pl.pallas_call(
        _stage_b,
        grid_spec=pltpu.PrefetchScalarGridSpec(
            num_scalar_prefetch=2,
            grid=(N_BLK,),
            in_specs=[
                pl.BlockSpec((M_BLK, D_HALF), lambda b, be, bn: (b, 0)),
                pl.BlockSpec((1, d, D_EXPERT), lambda b, be, bn: (be[b], 0, 0)),
                pl.BlockSpec((1, d, D_EXPERT), lambda b, be, bn: (be[b], 0, 0)),
                pl.BlockSpec((1, D_EXPERT, d), lambda b, be, bn: (be[b], 0, 0)),
            ],
            out_specs=pl.BlockSpec((M_BLK, D_HALF),
                                   lambda b, be, bn: (b, 0)),
        ),
        out_shape=jax.ShapeDtypeStruct((BUF_ROWS, D_HALF), jnp.int32),
        compiler_params=pltpu.CompilerParams(
            dimension_semantics=("arbitrary",)),
    )(bexp_s, bnr_s, buf, wg16, wu16, wd16)

    y0, y1 = _sc_gather(y, pos0_f, pos1_f)

    out = pl.pallas_call(
        _stage_c,
        grid=(n_tb,),
        in_specs=[
            pl.BlockSpec((TB, d), lambda i: (i, 0)),
            pl.BlockSpec((TB, D_HALF), lambda i: (i, 0)),
            pl.BlockSpec((TB, D_HALF), lambda i: (i, 0)),
            pl.BlockSpec((TB, LANES), lambda i: (i, 0)),
        ],
        out_specs=pl.BlockSpec((TB, d), lambda i: (i, 0)),
        out_shape=jax.ShapeDtypeStruct((n_tok, d), jnp.float32),
    )(x_flat, y0, y1, meta)

    return out.reshape(b, s, d)

# --- scband reference (transcript-rebuilt; emitter-appended) ---
"""Pipeline reference for scband-helena-net-49374944034997 (READ-ONLY COPY).

The authoritative reference and input builder live on the scoring server;
editing this copy changes nothing except your own understanding.
"""

import jax, jax.numpy as jnp
import numpy as np

D_MODEL = 1024
D_EXPERT = 2048
N_EXPERTS = 8
TOP_K = 2
EPS = 1e-6


def setup_inputs(seed: int = 0) -> dict:
    key = jax.random.key(seed)
    k_x, k_r, k_g, k_u, k_d = jax.random.split(key, 5)
    x = jax.random.normal(k_x, (2, 2048, D_MODEL), dtype=jnp.float32)
    norm_w = jnp.ones((D_MODEL,), dtype=jnp.float32)
    router_w = jax.random.normal(k_r, (D_MODEL, N_EXPERTS), dtype=jnp.float32) * (1.0 / np.sqrt(D_MODEL))
    Wg = jax.random.normal(k_g, (N_EXPERTS, D_MODEL, D_EXPERT), dtype=jnp.float32) * (1.0 / np.sqrt(D_MODEL))
    Wu = jax.random.normal(k_u, (N_EXPERTS, D_MODEL, D_EXPERT), dtype=jnp.float32) * (1.0 / np.sqrt(D_MODEL))
    Wd = jax.random.normal(k_d, (N_EXPERTS, D_EXPERT, D_MODEL), dtype=jnp.float32) * (1.0 / np.sqrt(D_EXPERT))
    return {"x": x, "norm_w": norm_w, "router_w": router_w, "Wg": Wg, "Wu": Wu, "Wd": Wd}


def _rms_norm(x, w):
    var = jnp.mean(x * x, axis=-1, keepdims=True)
    return x * jax.lax.rsqrt(var + EPS) * w


def reference(x, norm_w, router_w, Wg, Wu, Wd):
    residual = x
    xn = _rms_norm(x, norm_w)
    b, s, d = xn.shape
    x_flat = xn.reshape(-1, d)
    router_logits = x_flat @ router_w
    router_probs = jax.nn.softmax(router_logits, axis=-1)
    top_k_probs, top_k_indices = jax.lax.top_k(router_probs, TOP_K)
    top_k_probs = top_k_probs / jnp.sum(top_k_probs, axis=-1, keepdims=True)
    output = jnp.zeros_like(x_flat)
    for e in range(N_EXPERTS):
        mask = jnp.any(top_k_indices == e, axis=-1)
        gate = jax.nn.silu(x_flat @ Wg[e])
        up = x_flat @ Wu[e]
        expert_out = (gate * up) @ Wd[e]
        weights = router_probs[:, e:e + 1]
        output = output + jnp.where(mask[:, None], weights * expert_out, 0.0)
    output = output.reshape(b, s, d)
    return output + residual

if __name__ == "__main__":
    import jax
    _d = setup_inputs()
    print(jax.jit(kernel)(*tuple(_d.values())))

</pallas_src>

<mosaic_0001>
#map = affine_map<(d0, d1) -> (0, 0)>
#map1 = affine_map<(d0, d1) -> (0)>
module attributes {stable_mosaic.version = 14 : i64} {
  func.func @body(%arg0: i32, %arg1: i32, %arg2: memref<4096x512xi32, #tpu.memory_space<hbm>>, %arg3: memref<4096xi32, #tpu.memory_space<hbm>>, %arg4: memref<4096xi32, #tpu.memory_space<hbm>>, %arg5: memref<12288x512xi32, #tpu.memory_space<hbm>>, %arg6: memref<128xi32, #tpu.memory_space<vmem>>, %arg7: memref<128xi32, #tpu.memory_space<vmem>>, %arg8: memref<128x512xi32, #tpu.memory_space<vmem>>, %arg9: memref<!tpu.dma_semaphore, #tpu.memory_space<semaphore_mem>>, %arg10: memref<!tpu.dma_semaphore, #tpu.memory_space<semaphore_mem>>) attributes {dimension_semantics = [#tpu.dimension_semantics<core_parallel>, #tpu.dimension_semantics<subcore_parallel>], iteration_bounds = array<i64: 2, 16>, scalar_prefetch = 0 : i64, scratch_operands = 5 : i64, tpu.core_type = #tpu.core_type<sc_vector_subcore>, window_params = [{transform_indices = #map}, {transform_indices = #map1}, {transform_indices = #map1}, {transform_indices = #map}]} {
    %mul3A = arith.constant 2 : i32
    %mul3A_0 = arith.muli %arg1, %mul3A : i32
    %add3A = arith.addi %mul3A_0, %arg0 : i32
    %mul3A_1 = arith.constant 128 : i32
    %mul3A_2 = arith.muli %add3A, %mul3A_1 : i32
    %add3A_3 = arith.constant 0 : i32
    %add3A_4 = arith.addi %mul3A_2, %add3A_3 : i32
    "tpu.region"() ({
      %run_scoped3A = tpu.sem_alloc : memref<!tpu.dma_semaphore, #tpu.memory_space<semaphore_mem>>
      %dma_start3A_15 = tpu.memref_slice %arg3[%add3A_4] : memref<4096xi32, #tpu.memory_space<hbm>> -> memref<128xi32, #tpu.memory_space<hbm>>
      %dma_start3A_16 = tpu.memref_slice %arg3[%add3A_4] : memref<4096xi32, #tpu.memory_space<hbm>> -> memref<128xi32, #tpu.memory_space<hbm>>
      tpu.enqueue_dma source(%dma_start3A_16 : memref<128xi32, #tpu.memory_space<hbm>>) target(%arg6 : memref<128xi32, #tpu.memory_space<vmem>>) target_semaphore(%run_scoped3A : memref<!tpu.dma_semaphore, #tpu.memory_space<semaphore_mem>>)
      %dma_wait3A_17 = tpu.memref_slice %arg3[%add3A_4] : memref<4096xi32, #tpu.memory_space<hbm>> -> memref<128xi32, #tpu.memory_space<hbm>>
      %dma_wait3A_18 = tpu.memref_slice %arg3[%add3A_4] : memref<4096xi32, #tpu.memory_space<hbm>> -> memref<128xi32, #tpu.memory_space<hbm>>
      tpu.wait_dma2 semaphore(%run_scoped3A : memref<!tpu.dma_semaphore, #tpu.memory_space<semaphore_mem>>) src(%dma_wait3A_18 : memref<128xi32, #tpu.memory_space<hbm>>) dst(%arg6 : memref<128xi32, #tpu.memory_space<vmem>>)
      tpu.yield
    }) : () -> ()
    "tpu.region"() ({
      %run_scoped3A = tpu.sem_alloc : memref<!tpu.dma_semaphore, #tpu.memory_space<semaphore_mem>>
      %dma_start3A_15 = tpu.memref_slice %arg4[%add3A_4] : memref<4096xi32, #tpu.memory_space<hbm>> -> memref<128xi32, #tpu.memory_space<hbm>>
      %dma_start3A_16 = tpu.memref_slice %arg4[%add3A_4] : memref<4096xi32, #tpu.memory_space<hbm>> -> memref<128xi32, #tpu.memory_space<hbm>>
      tpu.enqueue_dma source(%dma_start3A_16 : memref<128xi32, #tpu.memory_space<hbm>>) target(%arg7 : memref<128xi32, #tpu.memory_space<vmem>>) target_semaphore(%run_scoped3A : memref<!tpu.dma_semaphore, #tpu.memory_space<semaphore_mem>>)
      %dma_wait3A_17 = tpu.memref_slice %arg4[%add3A_4] : memref<4096xi32, #tpu.memory_space<hbm>> -> memref<128xi32, #tpu.memory_space<hbm>>
      %dma_wait3A_18 = tpu.memref_slice %arg4[%add3A_4] : memref<4096xi32, #tpu.memory_space<hbm>> -> memref<128xi32, #tpu.memory_space<hbm>>
      tpu.wait_dma2 semaphore(%run_scoped3A : memref<!tpu.dma_semaphore, #tpu.memory_space<semaphore_mem>>) src(%dma_wait3A_18 : memref<128xi32, #tpu.memory_space<hbm>>) dst(%arg7 : memref<128xi32, #tpu.memory_space<vmem>>)
      tpu.yield
    }) : () -> ()
    "tpu.region"() ({
      %run_scoped3A = tpu.sem_alloc : memref<!tpu.dma_semaphore, #tpu.memory_space<semaphore_mem>>
      %dma_start3A_15 = arith.constant 0 : i32
      %dma_start3A_16 = tpu.memref_slice %arg2[%add3A_4, %dma_start3A_15] : memref<4096x512xi32, #tpu.memory_space<hbm>> -> memref<128x512xi32, #tpu.memory_space<hbm>>
      %dma_start3A_17 = arith.constant 0 : i32
      %dma_start3A_18 = tpu.memref_slice %arg2[%add3A_4, %dma_start3A_17] : memref<4096x512xi32, #tpu.memory_space<hbm>> -> memref<128x512xi32, #tpu.memory_space<hbm>>
      tpu.enqueue_dma source(%dma_start3A_18 : memref<128x512xi32, #tpu.memory_space<hbm>>) target(%arg8 : memref<128x512xi32, #tpu.memory_space<vmem>>) target_semaphore(%run_scoped3A : memref<!tpu.dma_semaphore, #tpu.memory_space<semaphore_mem>>)
      %dma_wait3A_19 = arith.constant 0 : i32
      %dma_wait3A_20 = tpu.memref_slice %arg2[%add3A_4, %dma_wait3A_19] : memref<4096x512xi32, #tpu.memory_space<hbm>> -> memref<128x512xi32, #tpu.memory_space<hbm>>
      %dma_wait3A_21 = arith.constant 0 : i32
      %dma_wait3A_22 = tpu.memref_slice %arg2[%add3A_4, %dma_wait3A_21] : memref<4096x512xi32, #tpu.memory_space<hbm>> -> memref<128x512xi32, #tpu.memory_space<hbm>>
      tpu.wait_dma2 semaphore(%run_scoped3A : memref<!tpu.dma_semaphore, #tpu.memory_space<semaphore_mem>>) src(%dma_wait3A_22 : memref<128x512xi32, #tpu.memory_space<hbm>>) dst(%arg8 : memref<128x512xi32, #tpu.memory_space<vmem>>)
      tpu.yield
    }) : () -> ()
    %dma_start3A = arith.constant 0 : i32
    %dma_start3A_5 = arith.constant 0 : i32
    %dma_start3A_6 = tpu.memref_slice %arg5[%dma_start3A, %dma_start3A_5] : memref<12288x512xi32, #tpu.memory_space<hbm>> -> memref<12288x512xi32, #tpu.memory_space<hbm>>
    tpu.enqueue_indirect_dma source(%arg8 : memref<128x512xi32, #tpu.memory_space<vmem>>) target(%dma_start3A_6 : memref<12288x512xi32, #tpu.memory_space<hbm>>) offsets(%arg6 : memref<128xi32, #tpu.memory_space<vmem>>) semaphore(%arg9 : memref<!tpu.dma_semaphore, #tpu.memory_space<semaphore_mem>>)
    %dma_start3A_7 = arith.constant 0 : i32
    %dma_start3A_8 = arith.constant 0 : i32
    %dma_start3A_9 = tpu.memref_slice %arg5[%dma_start3A_7, %dma_start3A_8] : memref<12288x512xi32, #tpu.memory_space<hbm>> -> memref<12288x512xi32, #tpu.memory_space<hbm>>
    tpu.enqueue_indirect_dma source(%arg8 : memref<128x512xi32, #tpu.memory_space<vmem>>) target(%dma_start3A_9 : memref<12288x512xi32, #tpu.memory_space<hbm>>) offsets(%arg7 : memref<128xi32, #tpu.memory_space<vmem>>) semaphore(%arg10 : memref<!tpu.dma_semaphore, #tpu.memory_space<semaphore_mem>>)
    %dma_wait3A = arith.constant 0 : i32
    %dma_wait3A_10 = arith.constant 0 : i32
    %dma_wait3A_11 = tpu.memref_slice %arg5[%dma_wait3A, %dma_wait3A_10] : memref<12288x512xi32, #tpu.memory_space<hbm>> -> memref<12288x512xi32, #tpu.memory_space<hbm>>
    tpu.wait_indirect_dma semaphore(%arg9 : memref<!tpu.dma_semaphore, #tpu.memory_space<semaphore_mem>>) src(%arg8 : memref<128x512xi32, #tpu.memory_space<vmem>>) dst(%dma_wait3A_11 : memref<12288x512xi32, #tpu.memory_space<hbm>>)
    %dma_wait3A_12 = arith.constant 0 : i32
    %dma_wait3A_13 = arith.constant 0 : i32
    %dma_wait3A_14 = tpu.memref_slice %arg5[%dma_wait3A_12, %dma_wait3A_13] : memref<12288x512xi32, #tpu.memory_space<hbm>> -> memref<12288x512xi32, #tpu.memory_space<hbm>>
    tpu.wait_indirect_dma semaphore(%arg10 : memref<!tpu.dma_semaphore, #tpu.memory_space<semaphore_mem>>) src(%arg8 : memref<128x512xi32, #tpu.memory_space<vmem>>) dst(%dma_wait3A_14 : memref<12288x512xi32, #tpu.memory_space<hbm>>)
    return
  }
}

#map = affine_map<(d0, d1) -> (0, 0)>
#map1 = affine_map<(d0, d1) -> (0)>
module attributes {stable_mosaic.version = 14 : i64} {
  func.func @body(%arg0: i32, %arg1: i32, %arg2: memref<12288x512xi32, #tpu.memory_space<hbm>>, %arg3: memref<4096xi32, #tpu.memory_space<hbm>>, %arg4: memref<4096xi32, #tpu.memory_space<hbm>>, %arg5: memref<4096x512xi32, #tpu.memory_space<hbm>>, %arg6: memref<4096x512xi32, #tpu.memory_space<hbm>>, %arg7: memref<128xi32, #tpu.memory_space<vmem>>, %arg8: memref<128x512xi32, #tpu.memory_space<vmem>>, %arg9: memref<!tpu.dma_semaphore, #tpu.memory_space<semaphore_mem>>) attributes {dimension_semantics = [#tpu.dimension_semantics<core_parallel>, #tpu.dimension_semantics<subcore_parallel>], iteration_bounds = array<i64: 2, 16>, scalar_prefetch = 0 : i64, scratch_operands = 3 : i64, tpu.core_type = #tpu.core_type<sc_vector_subcore>, window_params = [{transform_indices = #map}, {transform_indices = #map1}, {transform_indices = #map1}, {transform_indices = #map}, {transform_indices = #map}]} {
    %mul3A = arith.constant 2 : i32
    %mul3A_0 = arith.muli %arg1, %mul3A : i32
    %add3A = arith.addi %mul3A_0, %arg0 : i32
    %mul3A_1 = arith.constant 128 : i32
    %mul3A_2 = arith.muli %add3A, %mul3A_1 : i32
    %add3A_3 = arith.constant 0 : i32
    %add3A_4 = arith.addi %mul3A_2, %add3A_3 : i32
    "tpu.region"() ({
      %run_scoped3A = tpu.sem_alloc : memref<!tpu.dma_semaphore, #tpu.memory_space<semaphore_mem>>
      %dma_start3A_15 = tpu.memref_slice %arg3[%add3A_4] : memref<4096xi32, #tpu.memory_space<hbm>> -> memref<128xi32, #tpu.memory_space<hbm>>
      %dma_start3A_16 = tpu.memref_slice %arg3[%add3A_4] : memref<4096xi32, #tpu.memory_space<hbm>> -> memref<128xi32, #tpu.memory_space<hbm>>
      tpu.enqueue_dma source(%dma_start3A_16 : memref<128xi32, #tpu.memory_space<hbm>>) target(%arg7 : memref<128xi32, #tpu.memory_space<vmem>>) target_semaphore(%run_scoped3A : memref<!tpu.dma_semaphore, #tpu.memory_space<semaphore_mem>>)
      %dma_wait3A_17 = tpu.memref_slice %arg3[%add3A_4] : memref<4096xi32, #tpu.memory_space<hbm>> -> memref<128xi32, #tpu.memory_space<hbm>>
      %dma_wait3A_18 = tpu.memref_slice %arg3[%add3A_4] : memref<4096xi32, #tpu.memory_space<hbm>> -> memref<128xi32, #tpu.memory_space<hbm>>
      tpu.wait_dma2 semaphore(%run_scoped3A : memref<!tpu.dma_semaphore, #tpu.memory_space<semaphore_mem>>) src(%dma_wait3A_18 : memref<128xi32, #tpu.memory_space<hbm>>) dst(%arg7 : memref<128xi32, #tpu.memory_space<vmem>>)
      tpu.yield
    }) : () -> ()
    %dma_start3A = arith.constant 0 : i32
    %dma_start3A_5 = arith.constant 0 : i32
    %dma_start3A_6 = tpu.memref_slice %arg2[%dma_start3A, %dma_start3A_5] : memref<12288x512xi32, #tpu.memory_space<hbm>> -> memref<12288x512xi32, #tpu.memory_space<hbm>>
    tpu.enqueue_indirect_dma source(%dma_start3A_6 : memref<12288x512xi32, #tpu.memory_space<hbm>>) target(%arg8 : memref<128x512xi32, #tpu.memory_space<vmem>>) offsets(%arg7 : memref<128xi32, #tpu.memory_space<vmem>>) semaphore(%arg9 : memref<!tpu.dma_semaphore, #tpu.memory_space<semaphore_mem>>)
    %dma_wait3A = arith.constant 0 : i32
    %dma_wait3A_7 = arith.constant 0 : i32
    %dma_wait3A_8 = tpu.memref_slice %arg2[%dma_wait3A, %dma_wait3A_7] : memref<12288x512xi32, #tpu.memory_space<hbm>> -> memref<12288x512xi32, #tpu.memory_space<hbm>>
    tpu.wait_indirect_dma semaphore(%arg9 : memref<!tpu.dma_semaphore, #tpu.memory_space<semaphore_mem>>) src(%dma_wait3A_8 : memref<12288x512xi32, #tpu.memory_space<hbm>>) dst(%arg8 : memref<128x512xi32, #tpu.memory_space<vmem>>)
    "tpu.region"() ({
      %run_scoped3A = tpu.sem_alloc : memref<!tpu.dma_semaphore, #tpu.memory_space<semaphore_mem>>
      %dma_start3A_15 = arith.constant 0 : i32
      %dma_start3A_16 = tpu.memref_slice %arg5[%add3A_4, %dma_start3A_15] : memref<4096x512xi32, #tpu.memory_space<hbm>> -> memref<128x512xi32, #tpu.memory_space<hbm>>
      %dma_start3A_17 = arith.constant 0 : i32
      %dma_start3A_18 = tpu.memref_slice %arg5[%add3A_4, %dma_start3A_17] : memref<4096x512xi32, #tpu.memory_space<hbm>> -> memref<128x512xi32, #tpu.memory_space<hbm>>
      tpu.enqueue_dma source(%arg8 : memref<128x512xi32, #tpu.memory_space<vmem>>) target(%dma_start3A_18 : memref<128x512xi32, #tpu.memory_space<hbm>>) target_semaphore(%run_scoped3A : memref<!tpu.dma_semaphore, #tpu.memory_space<semaphore_mem>>)
      %dma_wait3A_19 = arith.constant 0 : i32
      %dma_wait3A_20 = tpu.memref_slice %arg5[%add3A_4, %dma_wait3A_19] : memref<4096x512xi32, #tpu.memory_space<hbm>> -> memref<128x512xi32, #tpu.memory_space<hbm>>
      %dma_wait3A_21 = arith.constant 0 : i32
      %dma_wait3A_22 = tpu.memref_slice %arg5[%add3A_4, %dma_wait3A_21] : memref<4096x512xi32, #tpu.memory_space<hbm>> -> memref<128x512xi32, #tpu.memory_space<hbm>>
      tpu.wait_dma2 semaphore(%run_scoped3A : memref<!tpu.dma_semaphore, #tpu.memory_space<semaphore_mem>>) src(%arg8 : memref<128x512xi32, #tpu.memory_space<vmem>>) dst(%dma_wait3A_22 : memref<128x512xi32, #tpu.memory_space<hbm>>)
      tpu.yield
    }) : () -> ()
    "tpu.region"() ({
      %run_scoped3A = tpu.sem_alloc : memref<!tpu.dma_semaphore, #tpu.memory_space<semaphore_mem>>
      %dma_start3A_15 = tpu.memref_slice %arg4[%add3A_4] : memref<4096xi32, #tpu.memory_space<hbm>> -> memref<128xi32, #tpu.memory_space<hbm>>
      %dma_start3A_16 = tpu.memref_slice %arg4[%add3A_4] : memref<4096xi32, #tpu.memory_space<hbm>> -> memref<128xi32, #tpu.memory_space<hbm>>
      tpu.enqueue_dma source(%dma_start3A_16 : memref<128xi32, #tpu.memory_space<hbm>>) target(%arg7 : memref<128xi32, #tpu.memory_space<vmem>>) target_semaphore(%run_scoped3A : memref<!tpu.dma_semaphore, #tpu.memory_space<semaphore_mem>>)
      %dma_wait3A_17 = tpu.memref_slice %arg4[%add3A_4] : memref<4096xi32, #tpu.memory_space<hbm>> -> memref<128xi32, #tpu.memory_space<hbm>>
      %dma_wait3A_18 = tpu.memref_slice %arg4[%add3A_4] : memref<4096xi32, #tpu.memory_space<hbm>> -> memref<128xi32, #tpu.memory_space<hbm>>
      tpu.wait_dma2 semaphore(%run_scoped3A : memref<!tpu.dma_semaphore, #tpu.memory_space<semaphore_mem>>) src(%dma_wait3A_18 : memref<128xi32, #tpu.memory_space<hbm>>) dst(%arg7 : memref<128xi32, #tpu.memory_space<vmem>>)
      tpu.yield
    }) : () -> ()
    %dma_start3A_9 = arith.constant 0 : i32
    %dma_start3A_10 = arith.constant 0 : i32
    %dma_start3A_11 = tpu.memref_slice %arg2[%dma_start3A_9, %dma_start3A_10] : memref<12288x512xi32, #tpu.memory_space<hbm>> -> memref<12288x512xi32, #tpu.memory_space<hbm>>
    tpu.enqueue_indirect_dma source(%dma_start3A_11 : memref<12288x512xi32, #tpu.memory_space<hbm>>) target(%arg8 : memref<128x512xi32, #tpu.memory_space<vmem>>) offsets(%arg7 : memref<128xi32, #tpu.memory_space<vmem>>) semaphore(%arg9 : memref<!tpu.dma_semaphore, #tpu.memory_space<semaphore_mem>>)
    %dma_wait3A_12 = arith.constant 0 : i32
    %dma_wait3A_13 = arith.constant 0 : i32
    %dma_wait3A_14 = tpu.memref_slice %arg2[%dma_wait3A_12, %dma_wait3A_13] : memref<12288x512xi32, #tpu.memory_space<hbm>> -> memref<12288x512xi32, #tpu.memory_space<hbm>>
    tpu.wait_indirect_dma semaphore(%arg9 : memref<!tpu.dma_semaphore, #tpu.memory_space<semaphore_mem>>) src(%dma_wait3A_14 : memref<12288x512xi32, #tpu.memory_space<hbm>>) dst(%arg8 : memref<128x512xi32, #tpu.memory_space<vmem>>)
    "tpu.region"() ({
      %run_scoped3A = tpu.sem_alloc : memref<!tpu.dma_semaphore, #tpu.memory_space<semaphore_mem>>
      %dma_start3A_15 = arith.constant 0 : i32
      %dma_start3A_16 = tpu.memref_slice %arg6[%add3A_4, %dma_start3A_15] : memref<4096x512xi32, #tpu.memory_space<hbm>> -> memref<128x512xi32, #tpu.memory_space<hbm>>
      %dma_start3A_17 = arith.constant 0 : i32
      %dma_start3A_18 = tpu.memref_slice %arg6[%add3A_4, %dma_start3A_17] : memref<4096x512xi32, #tpu.memory_space<hbm>> -> memref<128x512xi32, #tpu.memory_space<hbm>>
      tpu.enqueue_dma source(%arg8 : memref<128x512xi32, #tpu.memory_space<vmem>>) target(%dma_start3A_18 : memref<128x512xi32, #tpu.memory_space<hbm>>) target_semaphore(%run_scoped3A : memref<!tpu.dma_semaphore, #tpu.memory_space<semaphore_mem>>)
      %dma_wait3A_19 = arith.constant 0 : i32
      %dma_wait3A_20 = tpu.memref_slice %arg6[%add3A_4, %dma_wait3A_19] : memref<4096x512xi32, #tpu.memory_space<hbm>> -> memref<128x512xi32, #tpu.memory_space<hbm>>
      %dma_wait3A_21 = arith.constant 0 : i32
      %dma_wait3A_22 = tpu.memref_slice %arg6[%add3A_4, %dma_wait3A_21] : memref<4096x512xi32, #tpu.memory_space<hbm>> -> memref<128x512xi32, #tpu.memory_space<hbm>>
      tpu.wait_dma2 semaphore(%run_scoped3A : memref<!tpu.dma_semaphore, #tpu.memory_space<semaphore_mem>>) src(%arg8 : memref<128x512xi32, #tpu.memory_space<vmem>>) dst(%dma_wait3A_22 : memref<128x512xi32, #tpu.memory_space<hbm>>)
      tpu.yield
    }) : () -> ()
    return
  }
}

module attributes {stable_mosaic.version = 14 : i64} {
  func.func @_stage_a3(%arg0: i32, %arg1: memref<1x128xf32, #tpu.memory_space<vmem>>, %arg2: memref<1024x128xf32, #tpu.memory_space<vmem>>, %arg3: memref<1024x1xi32, #tpu.memory_space<vmem>>, %arg4: memref<1024x1xi32, #tpu.memory_space<vmem>>, %arg5: memref<1x128xi32, #tpu.memory_space<vmem>>, %arg6: memref<1x128xi32, #tpu.memory_space<vmem>>) attributes {dimension_semantics = [#tpu.dimension_semantics<arbitrary>], iteration_bounds = array<i64: 4>, scalar_prefetch = 0 : i64, scratch_operands = 0 : i64, tpu.core_type = #tpu.core_type<tc>, window_params = [{pipeline_mode = #tpu.pipeline_mode<synchronous>, transform_indices = @transform_0, window_bounds = array<i64: 1, 128>}, {transform_indices = @transform_1, window_bounds = array<i64: 1024, 128>}, {transform_indices = @transform_2, window_bounds = array<i64: 1024, 1>}, {transform_indices = @transform_3, window_bounds = array<i64: 1024, 1>}, {pipeline_mode = #tpu.pipeline_mode<synchronous>, transform_indices = @transform_4, window_bounds = array<i64: 1, 128>}, {pipeline_mode = #tpu.pipeline_mode<synchronous>, transform_indices = @transform_5, window_bounds = array<i64: 1, 128>}]} {
    %get3A = arith.constant 0 : index
    %get3A_0 = arith.constant 0 : index
    %get3A_1 = vector.load %arg1[%get3A, %get3A_0] : memref<1x128xf32, #tpu.memory_space<vmem>>, vector<1x128xf32>
    %add3A = arith.constant 5.110000e+02 : f32
    %add3A_2 = vector.broadcast %add3A : f32 to vector<1x128xf32>
    %add3A_3 = arith.addf %get3A_1, %add3A_2 : vector<1x128xf32>
    %mul3A = arith.constant 0.001953125 : f32
    %mul3A_4 = vector.broadcast %mul3A : f32 to vector<1x128xf32>
    %mul3A_5 = arith.mulf %add3A_3, %mul3A_4 : vector<1x128xf32>
    %floor3A = math.floor %mul3A_5 : vector<1x128xf32>
    %mul3A_6 = arith.constant 5.120000e+02 : f32
    %mul3A_7 = vector.broadcast %mul3A_6 : f32 to vector<1x128xf32>
    %mul3A_8 = arith.mulf %floor3A, %mul3A_7 : vector<1x128xf32>
    %iota3A = tpu.iota {dimensions = array<i32: 0>} : vector<128x128xi32>
    %iota3A_9 = tpu.iota {dimensions = array<i32: 1>} : vector<128x128xi32>
    %lt3A = arith.cmpi slt, %iota3A, %iota3A_9 : vector<128x128xi32>
    %jit3A = arith.constant 1.000000e+00 : f32
    %jit3A_10 = arith.constant 0.000000e+00 : f32
    %broadcast_in_dim3A = vector.broadcast %jit3A : f32 to vector<128x128xf32>
    %broadcast_in_dim3A_11 = vector.broadcast %jit3A_10 : f32 to vector<128x128xf32>
    %select_n3A = arith.select %lt3A, %broadcast_in_dim3A, %broadcast_in_dim3A_11 : vector<128x128xi1>, vector<128x128xf32>
    %dot_general3A = arith.constant dense<0.000000e+00> : vector<1x128xf32>
    %dot_general3A_12 = tpu.matmul %mul3A_8, %select_n3A, %dot_general3A {dimension_numbers = #tpu.dot_dimension_numbers<[1], [0], [0], [1], [0, 0, 1, 1], [], []>, transpose_lhs_hint = false} : vector<1x128xf32>, vector<128x128xf32>, vector<1x128xf32> -> vector<1x128xf32>
    %iota3A_13 = tpu.iota {dimensions = array<i32: 1>} : vector<1x128xi32>
    %get3A_14 = arith.constant 0 : index
    %get3A_15 = arith.constant 0 : index
    %get3A_16 = vector.load %arg2[%get3A_14, %get3A_15] : memref<1024x128xf32, #tpu.memory_space<vmem>>, vector<1024x128xf32>
    %iota3A_17 = tpu.iota {dimensions = array<i32: 1>} : vector<1024x128xi32>
    %eq3A = arith.constant 0 : i32
    %eq3A_18 = vector.broadcast %eq3A : i32 to vector<1024x128xi32>
    %eq3A_19 = arith.cmpi eq, %iota3A_17, %eq3A_18 : vector<1024x128xi32>
    %jit3A_20 = arith.constant 0.000000e+00 : f32
    %broadcast_in_dim3A_21 = vector.broadcast %jit3A_20 : f32 to vector<1024x128xf32>
    %select_n3A_22 = arith.select %eq3A_19, %get3A_16, %broadcast_in_dim3A_21 : vector<1024x128xi1>, vector<1024x128xf32>
    %reduce_sum3A = arith.constant dense<0.000000e+00> : vector<1024xf32>
    %reduce_sum3A_23 = vector.multi_reduction <add>, %select_n3A_22, %reduce_sum3A [1] : vector<1024x128xf32> to vector<1024xf32>
    %broadcast_in_dim3A_24 = vector.shape_cast %reduce_sum3A_23 : vector<1024xf32> to vector<1024x1xf32>
    %eq3A_25 = arith.constant 1 : i32
    %eq3A_26 = vector.broadcast %eq3A_25 : i32 to vector<1024x128xi32>
    %eq3A_27 = arith.cmpi eq, %iota3A_17, %eq3A_26 : vector<1024x128xi32>
    %jit3A_28 = arith.constant 0.000000e+00 : f32
    %broadcast_in_dim3A_29 = vector.broadcast %jit3A_28 : f32 to vector<1024x128xf32>
    %select_n3A_30 = arith.select %eq3A_27, %get3A_16, %broadcast_in_dim3A_29 : vector<1024x128xi1>, vector<1024x128xf32>
    %reduce_sum3A_31 = arith.constant dense<0.000000e+00> : vector<1024xf32>
    %reduce_sum3A_32 = vector.multi_reduction <add>, %select_n3A_30, %reduce_sum3A_31 [1] : vector<1024x128xf32> to vector<1024xf32>
    %broadcast_in_dim3A_33 = vector.shape_cast %reduce_sum3A_32 : vector<1024xf32> to vector<1024x1xf32>
    %eq3A_34 = arith.constant 2 : i32
    %eq3A_35 = vector.broadcast %eq3A_34 : i32 to vector<1024x128xi32>
    %eq3A_36 = arith.cmpi eq, %iota3A_17, %eq3A_35 : vector<1024x128xi32>
    %jit3A_37 = arith.constant 0.000000e+00 : f32
    %broadcast_in_dim3A_38 = vector.broadcast %jit3A_37 : f32 to vector<1024x128xf32>
    %select_n3A_39 = arith.select %eq3A_36, %get3A_16, %broadcast_in_dim3A_38 : vector<1024x128xi1>, vector<1024x128xf32>
    %reduce_sum3A_40 = arith.constant dense<0.000000e+00> : vector<1024xf32>
    %reduce_sum3A_41 = vector.multi_reduction <add>, %select_n3A_39, %reduce_sum3A_40 [1] : vector<1024x128xf32> to vector<1024xf32>
    %broadcast_in_dim3A_42 = vector.shape_cast %reduce_sum3A_41 : vector<1024xf32> to vector<1024x1xf32>
    %eq3A_43 = arith.constant 3 : i32
    %eq3A_44 = vector.broadcast %eq3A_43 : i32 to vector<1024x128xi32>
    %eq3A_45 = arith.cmpi eq, %iota3A_17, %eq3A_44 : vector<1024x128xi32>
    %jit3A_46 = arith.constant 0.000000e+00 : f32
    %broadcast_in_dim3A_47 = vector.broadcast %jit3A_46 : f32 to vector<1024x128xf32>
    %select_n3A_48 = arith.select %eq3A_45, %get3A_16, %broadcast_in_dim3A_47 : vector<1024x128xi1>, vector<1024x128xf32>
    %reduce_sum3A_49 = arith.constant dense<0.000000e+00> : vector<1024xf32>
    %reduce_sum3A_50 = vector.multi_reduction <add>, %select_n3A_48, %reduce_sum3A_49 [1] : vector<1024x128xf32> to vector<1024xf32>
    %broadcast_in_dim3A_51 = vector.shape_cast %reduce_sum3A_50 : vector<1024xf32> to vector<1024x1xf32>
    %broadcast_in_dim3A_52 = arith.constant -1.000000e+00 : f32
    %broadcast_in_dim3A_53 = vector.broadcast %broadcast_in_dim3A_52 : f32 to vector<1x128xf32>
    %broadcast_in_dim3A_54 = arith.constant 0.000000e+00 : f32
    %broadcast_in_dim3A_55 = vector.broadcast %broadcast_in_dim3A_54 : f32 to vector<1x128xf32>
    %convert_element_type3A = arith.sitofp %iota3A_13 : vector<1x128xi32> to vector<1x128xf32>
    %eq3A_56 = arith.constant 0 : i32
    %eq3A_57 = vector.broadcast %eq3A_56 : i32 to vector<1x128xi32>
    %eq3A_58 = arith.cmpi eq, %iota3A_13, %eq3A_57 : vector<1x128xi32>
    %jit3A_59 = arith.constant 1.000000e+00 : f32
    %jit3A_60 = arith.constant 0.000000e+00 : f32
    %broadcast_in_dim3A_61 = vector.broadcast %jit3A_59 : f32 to vector<1x128xf32>
    %broadcast_in_dim3A_62 = vector.broadcast %jit3A_60 : f32 to vector<1x128xf32>
    %select_n3A_63 = arith.select %eq3A_58, %broadcast_in_dim3A_61, %broadcast_in_dim3A_62 : vector<1x128xi1>, vector<1x128xf32>
    %mul3A_64 = arith.mulf %select_n3A_63, %dot_general3A_12 : vector<1x128xf32>
    %reduce_sum3A_65 = vector.shape_cast %mul3A_64 : vector<1x128xf32> to vector<1x1x128xf32>
    %reduce_sum3A_66 = arith.constant dense<0.000000e+00> : vector<1xf32>
    %reduce_sum3A_67 = vector.multi_reduction <add>, %reduce_sum3A_65, %reduce_sum3A_66 [1, 2] : vector<1x1x128xf32> to vector<1xf32>
    %reduce_sum3A_68 = vector.shape_cast %reduce_sum3A_67 : vector<1xf32> to vector<1x1x1xf32>
    %reduce_sum3A_69 = vector.extract %reduce_sum3A_68[0, 0, 0] : f32 from vector<1x1x1xf32>
    %mul3A_70 = arith.mulf %select_n3A_63, %get3A_1 : vector<1x128xf32>
    %reduce_sum3A_71 = vector.shape_cast %mul3A_70 : vector<1x128xf32> to vector<1x1x128xf32>
    %reduce_sum3A_72 = arith.constant dense<0.000000e+00> : vector<1xf32>
    %reduce_sum3A_73 = vector.multi_reduction <add>, %reduce_sum3A_71, %reduce_sum3A_72 [1, 2] : vector<1x1x128xf32> to vector<1xf32>
    %reduce_sum3A_74 = vector.shape_cast %reduce_sum3A_73 : vector<1xf32> to vector<1x1x1xf32>
    %reduce_sum3A_75 = vector.extract %reduce_sum3A_74[0, 0, 0] : f32 from vector<1x1x1xf32>
    %mul3A_76 = arith.constant 0.001953125 : f32
    %mul3A_77 = arith.mulf %reduce_sum3A_69, %mul3A_76 : f32
    %eq3A_78 = arith.constant 0.000000e+00 : f32
    %eq3A_79 = vector.broadcast %eq3A_78 : f32 to vector<1024x1xf32>
    %eq3A_80 = arith.cmpf oeq, %broadcast_in_dim3A_42, %eq3A_79 : vector<1024x1xf32>
    %jit3A_81 = arith.constant 0.000000e+00 : f32
    %broadcast_in_dim3A_82 = vector.broadcast %reduce_sum3A_69 : f32 to vector<1024x1xf32>
    %broadcast_in_dim3A_83 = vector.broadcast %jit3A_81 : f32 to vector<1024x1xf32>
    %select_n3A_84 = arith.select %eq3A_80, %broadcast_in_dim3A_82, %broadcast_in_dim3A_83 : vector<1024x1xi1>, vector<1024x1xf32>
    %add3A_85 = arith.addf %broadcast_in_dim3A_24, %select_n3A_84 : vector<1024x1xf32>
    %eq3A_86 = arith.constant 0.000000e+00 : f32
    %eq3A_87 = vector.broadcast %eq3A_86 : f32 to vector<1024x1xf32>
    %eq3A_88 = arith.cmpf oeq, %broadcast_in_dim3A_51, %eq3A_87 : vector<1024x1xf32>
    %jit3A_89 = arith.constant 0.000000e+00 : f32
    %broadcast_in_dim3A_90 = vector.broadcast %reduce_sum3A_69 : f32 to vector<1024x1xf32>
    %broadcast_in_dim3A_91 = vector.broadcast %jit3A_89 : f32 to vector<1024x1xf32>
    %select_n3A_92 = arith.select %eq3A_88, %broadcast_in_dim3A_90, %broadcast_in_dim3A_91 : vector<1024x1xi1>, vector<1024x1xf32>
    %add3A_93 = arith.addf %broadcast_in_dim3A_33, %select_n3A_92 : vector<1024x1xf32>
    %ge3A = vector.broadcast %mul3A_77 : f32 to vector<1x128xf32>
    %ge3A_94 = arith.cmpf oge, %convert_element_type3A, %ge3A : vector<1x128xf32>
    %jit3A_95 = arith.constant 1.000000e+00 : f32
    %jit3A_96 = arith.constant 0.000000e+00 : f32
    %broadcast_in_dim3A_97 = vector.broadcast %jit3A_95 : f32 to vector<1x128xf32>
    %broadcast_in_dim3A_98 = vector.broadcast %jit3A_96 : f32 to vector<1x128xf32>
    %select_n3A_99 = arith.select %ge3A_94, %broadcast_in_dim3A_97, %broadcast_in_dim3A_98 : vector<1x128xi1>, vector<1x128xf32>
    %add3A_100 = arith.addf %broadcast_in_dim3A_53, %select_n3A_99 : vector<1x128xf32>
    %sub3A = vector.broadcast %mul3A_77 : f32 to vector<1x128xf32>
    %sub3A_101 = arith.subf %convert_element_type3A, %sub3A : vector<1x128xf32>
    %mul3A_102 = arith.constant 5.120000e+02 : f32
    %mul3A_103 = vector.broadcast %mul3A_102 : f32 to vector<1x128xf32>
    %mul3A_104 = arith.mulf %sub3A_101, %mul3A_103 : vector<1x128xf32>
    %sub3A_105 = vector.broadcast %reduce_sum3A_75 : f32 to vector<1x128xf32>
    %sub3A_106 = arith.subf %sub3A_105, %mul3A_104 : vector<1x128xf32>
    %jit3A_107 = arith.constant 0.000000e+00 : f32
    %jit3A_108 = arith.constant 5.120000e+02 : f32
    %max3A = vector.broadcast %jit3A_107 : f32 to vector<1x128xf32>
    %max3A_109 = arith.maximumf %max3A, %sub3A_106 : vector<1x128xf32>
    %min3A = vector.broadcast %jit3A_108 : f32 to vector<1x128xf32>
    %min3A_110 = arith.minimumf %min3A, %max3A_109 : vector<1x128xf32>
    %ge3A_111 = vector.broadcast %mul3A_77 : f32 to vector<1x128xf32>
    %ge3A_112 = arith.cmpf oge, %convert_element_type3A, %ge3A_111 : vector<1x128xf32>
    %sub3A_113 = arith.subf %min3A_110, %broadcast_in_dim3A_55 : vector<1x128xf32>
    %jit3A_114 = arith.constant 0.000000e+00 : f32
    %broadcast_in_dim3A_115 = vector.broadcast %jit3A_114 : f32 to vector<1x128xf32>
    %select_n3A_116 = arith.select %ge3A_112, %sub3A_113, %broadcast_in_dim3A_115 : vector<1x128xi1>, vector<1x128xf32>
    %add3A_117 = arith.addf %broadcast_in_dim3A_55, %select_n3A_116 : vector<1x128xf32>
    %eq3A_118 = arith.constant 1 : i32
    %eq3A_119 = vector.broadcast %eq3A_118 : i32 to vector<1x128xi32>
    %eq3A_120 = arith.cmpi eq, %iota3A_13, %eq3A_119 : vector<1x128xi32>
    %jit3A_121 = arith.constant 1.000000e+00 : f32
    %jit3A_122 = arith.constant 0.000000e+00 : f32
    %broadcast_in_dim3A_123 = vector.broadcast %jit3A_121 : f32 to vector<1x128xf32>
    %broadcast_in_dim3A_124 = vector.broadcast %jit3A_122 : f32 to vector<1x128xf32>
    %select_n3A_125 = arith.select %eq3A_120, %broadcast_in_dim3A_123, %broadcast_in_dim3A_124 : vector<1x128xi1>, vector<1x128xf32>
    %mul3A_126 = arith.mulf %select_n3A_125, %dot_general3A_12 : vector<1x128xf32>
    %reduce_sum3A_127 = vector.shape_cast %mul3A_126 : vector<1x128xf32> to vector<1x1x128xf32>
    %reduce_sum3A_128 = arith.constant dense<0.000000e+00> : vector<1xf32>
    %reduce_sum3A_129 = vector.multi_reduction <add>, %reduce_sum3A_127, %reduce_sum3A_128 [1, 2] : vector<1x1x128xf32> to vector<1xf32>
    %reduce_sum3A_130 = vector.shape_cast %reduce_sum3A_129 : vector<1xf32> to vector<1x1x1xf32>
    %reduce_sum3A_131 = vector.extract %reduce_sum3A_130[0, 0, 0] : f32 from vector<1x1x1xf32>
    %mul3A_132 = arith.mulf %select_n3A_125, %get3A_1 : vector<1x128xf32>
    %reduce_sum3A_133 = vector.shape_cast %mul3A_132 : vector<1x128xf32> to vector<1x1x128xf32>
    %reduce_sum3A_134 = arith.constant dense<0.000000e+00> : vector<1xf32>
    %reduce_sum3A_135 = vector.multi_reduction <add>, %reduce_sum3A_133, %reduce_sum3A_134 [1, 2] : vector<1x1x128xf32> to vector<1xf32>
    %reduce_sum3A_136 = vector.shape_cast %reduce_sum3A_135 : vector<1xf32> to vector<1x1x1xf32>
    %reduce_sum3A_137 = vector.extract %reduce_sum3A_136[0, 0, 0] : f32 from vector<1x1x1xf32>
    %mul3A_138 = arith.constant 0.001953125 : f32
    %mul3A_139 = arith.mulf %reduce_sum3A_131, %mul3A_138 : f32
    %eq3A_140 = arith.constant 1.000000e+00 : f32
    %eq3A_141 = vector.broadcast %eq3A_140 : f32 to vector<1024x1xf32>
    %eq3A_142 = arith.cmpf oeq, %broadcast_in_dim3A_42, %eq3A_141 : vector<1024x1xf32>
    %jit3A_143 = arith.constant 0.000000e+00 : f32
    %broadcast_in_dim3A_144 = vector.broadcast %reduce_sum3A_131 : f32 to vector<1024x1xf32>
    %broadcast_in_dim3A_145 = vector.broadcast %jit3A_143 : f32 to vector<1024x1xf32>
    %select_n3A_146 = arith.select %eq3A_142, %broadcast_in_dim3A_144, %broadcast_in_dim3A_145 : vector<1024x1xi1>, vector<1024x1xf32>
    %add3A_147 = arith.addf %add3A_85, %select_n3A_146 : vector<1024x1xf32>
    %eq3A_148 = arith.constant 1.000000e+00 : f32
    %eq3A_149 = vector.broadcast %eq3A_148 : f32 to vector<1024x1xf32>
    %eq3A_150 = arith.cmpf oeq, %broadcast_in_dim3A_51, %eq3A_149 : vector<1024x1xf32>
    %jit3A_151 = arith.constant 0.000000e+00 : f32
    %broadcast_in_dim3A_152 = vector.broadcast %reduce_sum3A_131 : f32 to vector<1024x1xf32>
    %broadcast_in_dim3A_153 = vector.broadcast %jit3A_151 : f32 to vector<1024x1xf32>
    %select_n3A_154 = arith.select %eq3A_150, %broadcast_in_dim3A_152, %broadcast_in_dim3A_153 : vector<1024x1xi1>, vector<1024x1xf32>
    %add3A_155 = arith.addf %add3A_93, %select_n3A_154 : vector<1024x1xf32>
    %ge3A_156 = vector.broadcast %mul3A_139 : f32 to vector<1x128xf32>
    %ge3A_157 = arith.cmpf oge, %convert_element_type3A, %ge3A_156 : vector<1x128xf32>
    %jit3A_158 = arith.constant 1.000000e+00 : f32
    %jit3A_159 = arith.constant 0.000000e+00 : f32
    %broadcast_in_dim3A_160 = vector.broadcast %jit3A_158 : f32 to vector<1x128xf32>
    %broadcast_in_dim3A_161 = vector.broadcast %jit3A_159 : f32 to vector<1x128xf32>
    %select_n3A_162 = arith.select %ge3A_157, %broadcast_in_dim3A_160, %broadcast_in_dim3A_161 : vector<1x128xi1>, vector<1x128xf32>
    %add3A_163 = arith.addf %add3A_100, %select_n3A_162 : vector<1x128xf32>
    %sub3A_164 = vector.broadcast %mul3A_139 : f32 to vector<1x128xf32>
    %sub3A_165 = arith.subf %convert_element_type3A, %sub3A_164 : vector<1x128xf32>
    %mul3A_166 = arith.constant 5.120000e+02 : f32
    %mul3A_167 = vector.broadcast %mul3A_166 : f32 to vector<1x128xf32>
    %mul3A_168 = arith.mulf %sub3A_165, %mul3A_167 : vector<1x128xf32>
    %sub3A_169 = vector.broadcast %reduce_sum3A_137 : f32 to vector<1x128xf32>
    %sub3A_170 = arith.subf %sub3A_169, %mul3A_168 : vector<1x128xf32>
    %jit3A_171 = arith.constant 0.000000e+00 : f32
    %jit3A_172 = arith.constant 5.120000e+02 : f32
    %max3A_173 = vector.broadcast %jit3A_171 : f32 to vector<1x128xf32>
    %max3A_174 = arith.maximumf %max3A_173, %sub3A_170 : vector<1x128xf32>
    %min3A_175 = vector.broadcast %jit3A_172 : f32 to vector<1x128xf32>
    %min3A_176 = arith.minimumf %min3A_175, %max3A_174 : vector<1x128xf32>
    %ge3A_177 = vector.broadcast %mul3A_139 : f32 to vector<1x128xf32>
    %ge3A_178 = arith.cmpf oge, %convert_element_type3A, %ge3A_177 : vector<1x128xf32>
    %sub3A_179 = arith.subf %min3A_176, %add3A_117 : vector<1x128xf32>
    %jit3A_180 = arith.constant 0.000000e+00 : f32
    %broadcast_in_dim3A_181 = vector.broadcast %jit3A_180 : f32 to vector<1x128xf32>
    %select_n3A_182 = arith.select %ge3A_178, %sub3A_179, %broadcast_in_dim3A_181 : vector<1x128xi1>, vector<1x128xf32>
    %add3A_183 = arith.addf %add3A_117, %select_n3A_182 : vector<1x128xf32>
    %eq3A_184 = arith.constant 2 : i32
    %eq3A_185 = vector.broadcast %eq3A_184 : i32 to vector<1x128xi32>
    %eq3A_186 = arith.cmpi eq, %iota3A_13, %eq3A_185 : vector<1x128xi32>
    %jit3A_187 = arith.constant 1.000000e+00 : f32
    %jit3A_188 = arith.constant 0.000000e+00 : f32
    %broadcast_in_dim3A_189 = vector.broadcast %jit3A_187 : f32 to vector<1x128xf32>
    %broadcast_in_dim3A_190 = vector.broadcast %jit3A_188 : f32 to vector<1x128xf32>
    %select_n3A_191 = arith.select %eq3A_186, %broadcast_in_dim3A_189, %broadcast_in_dim3A_190 : vector<1x128xi1>, vector<1x128xf32>
    %mul3A_192 = arith.mulf %select_n3A_191, %dot_general3A_12 : vector<1x128xf32>
    %reduce_sum3A_193 = vector.shape_cast %mul3A_192 : vector<1x128xf32> to vector<1x1x128xf32>
    %reduce_sum3A_194 = arith.constant dense<0.000000e+00> : vector<1xf32>
    %reduce_sum3A_195 = vector.multi_reduction <add>, %reduce_sum3A_193, %reduce_sum3A_194 [1, 2] : vector<1x1x128xf32> to vector<1xf32>
    %reduce_sum3A_196 = vector.shape_cast %reduce_sum3A_195 : vector<1xf32> to vector<1x1x1xf32>
    %reduce_sum3A_197 = vector.extract %reduce_sum3A_196[0, 0, 0] : f32 from vector<1x1x1xf32>
    %mul3A_198 = arith.mulf %select_n3A_191, %get3A_1 : vector<1x128xf32>
    %reduce_sum3A_199 = vector.shape_cast %mul3A_198 : vector<1x128xf32> to vector<1x1x128xf32>
    %reduce_sum3A_200 = arith.constant dense<0.000000e+00> : vector<1xf32>
    %reduce_sum3A_201 = vector.multi_reduction <add>, %reduce_sum3A_199, %reduce_sum3A_200 [1, 2] : vector<1x1x128xf32> to vector<1xf32>
    %reduce_sum3A_202 = vector.shape_cast %reduce_sum3A_201 : vector<1xf32> to vector<1x1x1xf32>
    %reduce_sum3A_203 = vector.extract %reduce_sum3A_202[0, 0, 0] : f32 from vector<1x1x1xf32>
    %mul3A_204 = arith.constant 0.001953125 : f32
    %mul3A_205 = arith.mulf %reduce_sum3A_197, %mul3A_204 : f32
    %eq3A_206 = arith.constant 2.000000e+00 : f32
    %eq3A_207 = vector.broadcast %eq3A_206 : f32 to vector<1024x1xf32>
    %eq3A_208 = arith.cmpf oeq, %broadcast_in_dim3A_42, %eq3A_207 : vector<1024x1xf32>
    %jit3A_209 = arith.constant 0.000000e+00 : f32
    %broadcast_in_dim3A_210 = vector.broadcast %reduce_sum3A_197 : f32 to vector<1024x1xf32>
    %broadcast_in_dim3A_211 = vector.broadcast %jit3A_209 : f32 to vector<1024x1xf32>
    %select_n3A_212 = arith.select %eq3A_208, %broadcast_in_dim3A_210, %broadcast_in_dim3A_211 : vector<1024x1xi1>, vector<1024x1xf32>
    %add3A_213 = arith.addf %add3A_147, %select_n3A_212 : vector<1024x1xf32>
    %eq3A_214 = arith.constant 2.000000e+00 : f32
    %eq3A_215 = vector.broadcast %eq3A_214 : f32 to vector<1024x1xf32>
    %eq3A_216 = arith.cmpf oeq, %broadcast_in_dim3A_51, %eq3A_215 : vector<1024x1xf32>
    %jit3A_217 = arith.constant 0.000000e+00 : f32
    %broadcast_in_dim3A_218 = vector.broadcast %reduce_sum3A_197 : f32 to vector<1024x1xf32>
    %broadcast_in_dim3A_219 = vector.broadcast %jit3A_217 : f32 to vector<1024x1xf32>
    %select_n3A_220 = arith.select %eq3A_216, %broadcast_in_dim3A_218, %broadcast_in_dim3A_219 : vector<1024x1xi1>, vector<1024x1xf32>
    %add3A_221 = arith.addf %add3A_155, %select_n3A_220 : vector<1024x1xf32>
    %ge3A_222 = vector.broadcast %mul3A_205 : f32 to vector<1x128xf32>
    %ge3A_223 = arith.cmpf oge, %convert_element_type3A, %ge3A_222 : vector<1x128xf32>
    %jit3A_224 = arith.constant 1.000000e+00 : f32
    %jit3A_225 = arith.constant 0.000000e+00 : f32
    %broadcast_in_dim3A_226 = vector.broadcast %jit3A_224 : f32 to vector<1x128xf32>
    %broadcast_in_dim3A_227 = vector.broadcast %jit3A_225 : f32 to vector<1x128xf32>
    %select_n3A_228 = arith.select %ge3A_223, %broadcast_in_dim3A_226, %broadcast_in_dim3A_227 : vector<1x128xi1>, vector<1x128xf32>
    %add3A_229 = arith.addf %add3A_163, %select_n3A_228 : vector<1x128xf32>
    %sub3A_230 = vector.broadcast %mul3A_205 : f32 to vector<1x128xf32>
    %sub3A_231 = arith.subf %convert_element_type3A, %sub3A_230 : vector<1x128xf32>
    %mul3A_232 = arith.constant 5.120000e+02 : f32
    %mul3A_233 = vector.broadcast %mul3A_232 : f32 to vector<1x128xf32>
    %mul3A_234 = arith.mulf %sub3A_231, %mul3A_233 : vector<1x128xf32>
    %sub3A_235 = vector.broadcast %reduce_sum3A_203 : f32 to vector<1x128xf32>
    %sub3A_236 = arith.subf %sub3A_235, %mul3A_234 : vector<1x128xf32>
    %jit3A_237 = arith.constant 0.000000e+00 : f32
    %jit3A_238 = arith.constant 5.120000e+02 : f32
    %max3A_239 = vector.broadcast %jit3A_237 : f32 to vector<1x128xf32>
    %max3A_240 = arith.maximumf %max3A_239, %sub3A_236 : vector<1x128xf32>
    %min3A_241 = vector.broadcast %jit3A_238 : f32 to vector<1x128xf32>
    %min3A_242 = arith.minimumf %min3A_241, %max3A_240 : vector<1x128xf32>
    %ge3A_243 = vector.broadcast %mul3A_205 : f32 to vector<1x128xf32>
    %ge3A_244 = arith.cmpf oge, %convert_element_type3A, %ge3A_243 : vector<1x128xf32>
    %sub3A_245 = arith.subf %min3A_242, %add3A_183 : vector<1x128xf32>
    %jit3A_246 = arith.constant 0.000000e+00 : f32
    %broadcast_in_dim3A_247 = vector.broadcast %jit3A_246 : f32 to vector<1x128xf32>
    %select_n3A_248 = arith.select %ge3A_244, %sub3A_245, %broadcast_in_dim3A_247 : vector<1x128xi1>, vector<1x128xf32>
    %add3A_249 = arith.addf %add3A_183, %select_n3A_248 : vector<1x128xf32>
    %eq3A_250 = arith.constant 3 : i32
    %eq3A_251 = vector.broadcast %eq3A_250 : i32 to vector<1x128xi32>
    %eq3A_252 = arith.cmpi eq, %iota3A_13, %eq3A_251 : vector<1x128xi32>
    %jit3A_253 = arith.constant 1.000000e+00 : f32
    %jit3A_254 = arith.constant 0.000000e+00 : f32
    %broadcast_in_dim3A_255 = vector.broadcast %jit3A_253 : f32 to vector<1x128xf32>
    %broadcast_in_dim3A_256 = vector.broadcast %jit3A_254 : f32 to vector<1x128xf32>
    %select_n3A_257 = arith.select %eq3A_252, %broadcast_in_dim3A_255, %broadcast_in_dim3A_256 : vector<1x128xi1>, vector<1x128xf32>
    %mul3A_258 = arith.mulf %select_n3A_257, %dot_general3A_12 : vector<1x128xf32>
    %reduce_sum3A_259 = vector.shape_cast %mul3A_258 : vector<1x128xf32> to vector<1x1x128xf32>
    %reduce_sum3A_260 = arith.constant dense<0.000000e+00> : vector<1xf32>
    %reduce_sum3A_261 = vector.multi_reduction <add>, %reduce_sum3A_259, %reduce_sum3A_260 [1, 2] : vector<1x1x128xf32> to vector<1xf32>
    %reduce_sum3A_262 = vector.shape_cast %reduce_sum3A_261 : vector<1xf32> to vector<1x1x1xf32>
    %reduce_sum3A_263 = vector.extract %reduce_sum3A_262[0, 0, 0] : f32 from vector<1x1x1xf32>
    %mul3A_264 = arith.mulf %select_n3A_257, %get3A_1 : vector<1x128xf32>
    %reduce_sum3A_265 = vector.shape_cast %mul3A_264 : vector<1x128xf32> to vector<1x1x128xf32>
    %reduce_sum3A_266 = arith.constant dense<0.000000e+00> : vector<1xf32>
    %reduce_sum3A_267 = vector.multi_reduction <add>, %reduce_sum3A_265, %reduce_sum3A_266 [1, 2] : vector<1x1x128xf32> to vector<1xf32>
    %reduce_sum3A_268 = vector.shape_cast %reduce_sum3A_267 : vector<1xf32> to vector<1x1x1xf32>
    %reduce_sum3A_269 = vector.extract %reduce_sum3A_268[0, 0, 0] : f32 from vector<1x1x1xf32>
    %mul3A_270 = arith.constant 0.001953125 : f32
    %mul3A_271 = arith.mulf %reduce_sum3A_263, %mul3A_270 : f32
    %eq3A_272 = arith.constant 3.000000e+00 : f32
    %eq3A_273 = vector.broadcast %eq3A_272 : f32 to vector<1024x1xf32>
    %eq3A_274 = arith.cmpf oeq, %broadcast_in_dim3A_42, %eq3A_273 : vector<1024x1xf32>
    %jit3A_275 = arith.constant 0.000000e+00 : f32
    %broadcast_in_dim3A_276 = vector.broadcast %reduce_sum3A_263 : f32 to vector<1024x1xf32>
    %broadcast_in_dim3A_277 = vector.broadcast %jit3A_275 : f32 to vector<1024x1xf32>
    %select_n3A_278 = arith.select %eq3A_274, %broadcast_in_dim3A_276, %broadcast_in_dim3A_277 : vector<1024x1xi1>, vector<1024x1xf32>
    %add3A_279 = arith.addf %add3A_213, %select_n3A_278 : vector<1024x1xf32>
    %eq3A_280 = arith.constant 3.000000e+00 : f32
    %eq3A_281 = vector.broadcast %eq3A_280 : f32 to vector<1024x1xf32>
    %eq3A_282 = arith.cmpf oeq, %broadcast_in_dim3A_51, %eq3A_281 : vector<1024x1xf32>
    %jit3A_283 = arith.constant 0.000000e+00 : f32
    %broadcast_in_dim3A_284 = vector.broadcast %reduce_sum3A_263 : f32 to vector<1024x1xf32>
    %broadcast_in_dim3A_285 = vector.broadcast %jit3A_283 : f32 to vector<1024x1xf32>
    %select_n3A_286 = arith.select %eq3A_282, %broadcast_in_dim3A_284, %broadcast_in_dim3A_285 : vector<1024x1xi1>, vector<1024x1xf32>
    %add3A_287 = arith.addf %add3A_221, %select_n3A_286 : vector<1024x1xf32>
    %ge3A_288 = vector.broadcast %mul3A_271 : f32 to vector<1x128xf32>
    %ge3A_289 = arith.cmpf oge, %convert_element_type3A, %ge3A_288 : vector<1x128xf32>
    %jit3A_290 = arith.constant 1.000000e+00 : f32
    %jit3A_291 = arith.constant 0.000000e+00 : f32
    %broadcast_in_dim3A_292 = vector.broadcast %jit3A_290 : f32 to vector<1x128xf32>
    %broadcast_in_dim3A_293 = vector.broadcast %jit3A_291 : f32 to vector<1x128xf32>
    %select_n3A_294 = arith.select %ge3A_289, %broadcast_in_dim3A_292, %broadcast_in_dim3A_293 : vector<1x128xi1>, vector<1x128xf32>
    %add3A_295 = arith.addf %add3A_229, %select_n3A_294 : vector<1x128xf32>
    %sub3A_296 = vector.broadcast %mul3A_271 : f32 to vector<1x128xf32>
    %sub3A_297 = arith.subf %convert_element_type3A, %sub3A_296 : vector<1x128xf32>
    %mul3A_298 = arith.constant 5.120000e+02 : f32
    %mul3A_299 = vector.broadcast %mul3A_298 : f32 to vector<1x128xf32>
    %mul3A_300 = arith.mulf %sub3A_297, %mul3A_299 : vector<1x128xf32>
    %sub3A_301 = vector.broadcast %reduce_sum3A_269 : f32 to vector<1x128xf32>
    %sub3A_302 = arith.subf %sub3A_301, %mul3A_300 : vector<1x128xf32>
    %jit3A_303 = arith.constant 0.000000e+00 : f32
    %jit3A_304 = arith.constant 5.120000e+02 : f32
    %max3A_305 = vector.broadcast %jit3A_303 : f32 to vector<1x128xf32>
    %max3A_306 = arith.maximumf %max3A_305, %sub3A_302 : vector<1x128xf32>
    %min3A_307 = vector.broadcast %jit3A_304 : f32 to vector<1x128xf32>
    %min3A_308 = arith.minimumf %min3A_307, %max3A_306 : vector<1x128xf32>
    %ge3A_309 = vector.broadcast %mul3A_271 : f32 to vector<1x128xf32>
    %ge3A_310 = arith.cmpf oge, %convert_element_type3A, %ge3A_309 : vector<1x128xf32>
    %sub3A_311 = arith.subf %min3A_308, %add3A_249 : vector<1x128xf32>
    %jit3A_312 = arith.constant 0.000000e+00 : f32
    %broadcast_in_dim3A_313 = vector.broadcast %jit3A_312 : f32 to vector<1x128xf32>
    %select_n3A_314 = arith.select %ge3A_310, %sub3A_311, %broadcast_in_dim3A_313 : vector<1x128xi1>, vector<1x128xf32>
    %add3A_315 = arith.addf %add3A_249, %select_n3A_314 : vector<1x128xf32>
    %eq3A_316 = arith.constant 4 : i32
    %eq3A_317 = vector.broadcast %eq3A_316 : i32 to vector<1x128xi32>
    %eq3A_318 = arith.cmpi eq, %iota3A_13, %eq3A_317 : vector<1x128xi32>
    %jit3A_319 = arith.constant 1.000000e+00 : f32
    %jit3A_320 = arith.constant 0.000000e+00 : f32
    %broadcast_in_dim3A_321 = vector.broadcast %jit3A_319 : f32 to vector<1x128xf32>
    %broadcast_in_dim3A_322 = vector.broadcast %jit3A_320 : f32 to vector<1x128xf32>
    %select_n3A_323 = arith.select %eq3A_318, %broadcast_in_dim3A_321, %broadcast_in_dim3A_322 : vector<1x128xi1>, vector<1x128xf32>
    %mul3A_324 = arith.mulf %select_n3A_323, %dot_general3A_12 : vector<1x128xf32>
    %reduce_sum3A_325 = vector.shape_cast %mul3A_324 : vector<1x128xf32> to vector<1x1x128xf32>
    %reduce_sum3A_326 = arith.constant dense<0.000000e+00> : vector<1xf32>
    %reduce_sum3A_327 = vector.multi_reduction <add>, %reduce_sum3A_325, %reduce_sum3A_326 [1, 2] : vector<1x1x128xf32> to vector<1xf32>
    %reduce_sum3A_328 = vector.shape_cast %reduce_sum3A_327 : vector<1xf32> to vector<1x1x1xf32>
    %reduce_sum3A_329 = vector.extract %reduce_sum3A_328[0, 0, 0] : f32 from vector<1x1x1xf32>
    %mul3A_330 = arith.mulf %select_n3A_323, %get3A_1 : vector<1x128xf32>
    %reduce_sum3A_331 = vector.shape_cast %mul3A_330 : vector<1x128xf32> to vector<1x1x128xf32>
    %reduce_sum3A_332 = arith.constant dense<0.000000e+00> : vector<1xf32>
    %reduce_sum3A_333 = vector.multi_reduction <add>, %reduce_sum3A_331, %reduce_sum3A_332 [1, 2] : vector<1x1x128xf32> to vector<1xf32>
    %reduce_sum3A_334 = vector.shape_cast %reduce_sum3A_333 : vector<1xf32> to vector<1x1x1xf32>
    %reduce_sum3A_335 = vector.extract %reduce_sum3A_334[0, 0, 0] : f32 from vector<1x1x1xf32>
    %mul3A_336 = arith.constant 0.001953125 : f32
    %mul3A_337 = arith.mulf %reduce_sum3A_329, %mul3A_336 : f32
    %eq3A_338 = arith.constant 4.000000e+00 : f32
    %eq3A_339 = vector.broadcast %eq3A_338 : f32 to vector<1024x1xf32>
    %eq3A_340 = arith.cmpf oeq, %broadcast_in_dim3A_42, %eq3A_339 : vector<1024x1xf32>
    %jit3A_341 = arith.constant 0.000000e+00 : f32
    %broadcast_in_dim3A_342 = vector.broadcast %reduce_sum3A_329 : f32 to vector<1024x1xf32>
    %broadcast_in_dim3A_343 = vector.broadcast %jit3A_341 : f32 to vector<1024x1xf32>
    %select_n3A_344 = arith.select %eq3A_340, %broadcast_in_dim3A_342, %broadcast_in_dim3A_343 : vector<1024x1xi1>, vector<1024x1xf32>
    %add3A_345 = arith.addf %add3A_279, %select_n3A_344 : vector<1024x1xf32>
    %eq3A_346 = arith.constant 4.000000e+00 : f32
    %eq3A_347 = vector.broadcast %eq3A_346 : f32 to vector<1024x1xf32>
    %eq3A_348 = arith.cmpf oeq, %broadcast_in_dim3A_51, %eq3A_347 : vector<1024x1xf32>
    %jit3A_349 = arith.constant 0.000000e+00 : f32
    %broadcast_in_dim3A_350 = vector.broadcast %reduce_sum3A_329 : f32 to vector<1024x1xf32>
    %broadcast_in_dim3A_351 = vector.broadcast %jit3A_349 : f32 to vector<1024x1xf32>
    %select_n3A_352 = arith.select %eq3A_348, %broadcast_in_dim3A_350, %broadcast_in_dim3A_351 : vector<1024x1xi1>, vector<1024x1xf32>
    %add3A_353 = arith.addf %add3A_287, %select_n3A_352 : vector<1024x1xf32>
    %ge3A_354 = vector.broadcast %mul3A_337 : f32 to vector<1x128xf32>
    %ge3A_355 = arith.cmpf oge, %convert_element_type3A, %ge3A_354 : vector<1x128xf32>
    %jit3A_356 = arith.constant 1.000000e+00 : f32
    %jit3A_357 = arith.constant 0.000000e+00 : f32
    %broadcast_in_dim3A_358 = vector.broadcast %jit3A_356 : f32 to vector<1x128xf32>
    %broadcast_in_dim3A_359 = vector.broadcast %jit3A_357 : f32 to vector<1x128xf32>
    %select_n3A_360 = arith.select %ge3A_355, %broadcast_in_dim3A_358, %broadcast_in_dim3A_359 : vector<1x128xi1>, vector<1x128xf32>
    %add3A_361 = arith.addf %add3A_295, %select_n3A_360 : vector<1x128xf32>
    %sub3A_362 = vector.broadcast %mul3A_337 : f32 to vector<1x128xf32>
    %sub3A_363 = arith.subf %convert_element_type3A, %sub3A_362 : vector<1x128xf32>
    %mul3A_364 = arith.constant 5.120000e+02 : f32
    %mul3A_365 = vector.broadcast %mul3A_364 : f32 to vector<1x128xf32>
    %mul3A_366 = arith.mulf %sub3A_363, %mul3A_365 : vector<1x128xf32>
    %sub3A_367 = vector.broadcast %reduce_sum3A_335 : f32 to vector<1x128xf32>
    %sub3A_368 = arith.subf %sub3A_367, %mul3A_366 : vector<1x128xf32>
    %jit3A_369 = arith.constant 0.000000e+00 : f32
    %jit3A_370 = arith.constant 5.120000e+02 : f32
    %max3A_371 = vector.broadcast %jit3A_369 : f32 to vector<1x128xf32>
    %max3A_372 = arith.maximumf %max3A_371, %sub3A_368 : vector<1x128xf32>
    %min3A_373 = vector.broadcast %jit3A_370 : f32 to vector<1x128xf32>
    %min3A_374 = arith.minimumf %min3A_373, %max3A_372 : vector<1x128xf32>
    %ge3A_375 = vector.broadcast %mul3A_337 : f32 to vector<1x128xf32>
    %ge3A_376 = arith.cmpf oge, %convert_element_type3A, %ge3A_375 : vector<1x128xf32>
    %sub3A_377 = arith.subf %min3A_374, %add3A_315 : vector<1x128xf32>
    %jit3A_378 = arith.constant 0.000000e+00 : f32
    %broadcast_in_dim3A_379 = vector.broadcast %jit3A_378 : f32 to vector<1x128xf32>
    %select_n3A_380 = arith.select %ge3A_376, %sub3A_377, %broadcast_in_dim3A_379 : vector<1x128xi1>, vector<1x128xf32>
    %add3A_381 = arith.addf %add3A_315, %select_n3A_380 : vector<1x128xf32>
    %eq3A_382 = arith.constant 5 : i32
    %eq3A_383 = vector.broadcast %eq3A_382 : i32 to vector<1x128xi32>
    %eq3A_384 = arith.cmpi eq, %iota3A_13, %eq3A_383 : vector<1x128xi32>
    %jit3A_385 = arith.constant 1.000000e+00 : f32
    %jit3A_386 = arith.constant 0.000000e+00 : f32
    %broadcast_in_dim3A_387 = vector.broadcast %jit3A_385 : f32 to vector<1x128xf32>
    %broadcast_in_dim3A_388 = vector.broadcast %jit3A_386 : f32 to vector<1x128xf32>
    %select_n3A_389 = arith.select %eq3A_384, %broadcast_in_dim3A_387, %broadcast_in_dim3A_388 : vector<1x128xi1>, vector<1x128xf32>
    %mul3A_390 = arith.mulf %select_n3A_389, %dot_general3A_12 : vector<1x128xf32>
    %reduce_sum3A_391 = vector.shape_cast %mul3A_390 : vector<1x128xf32> to vector<1x1x128xf32>
    %reduce_sum3A_392 = arith.constant dense<0.000000e+00> : vector<1xf32>
    %reduce_sum3A_393 = vector.multi_reduction <add>, %reduce_sum3A_391, %reduce_sum3A_392 [1, 2] : vector<1x1x128xf32> to vector<1xf32>
    %reduce_sum3A_394 = vector.shape_cast %reduce_sum3A_393 : vector<1xf32> to vector<1x1x1xf32>
    %reduce_sum3A_395 = vector.extract %reduce_sum3A_394[0, 0, 0] : f32 from vector<1x1x1xf32>
    %mul3A_396 = arith.mulf %select_n3A_389, %get3A_1 : vector<1x128xf32>
    %reduce_sum3A_397 = vector.shape_cast %mul3A_396 : vector<1x128xf32> to vector<1x1x128xf32>
    %reduce_sum3A_398 = arith.constant dense<0.000000e+00> : vector<1xf32>
    %reduce_sum3A_399 = vector.multi_reduction <add>, %reduce_sum3A_397, %reduce_sum3A_398 [1, 2] : vector<1x1x128xf32> to vector<1xf32>
    %reduce_sum3A_400 = vector.shape_cast %reduce_sum3A_399 : vector<1xf32> to vector<1x1x1xf32>
    %reduce_sum3A_401 = vector.extract %reduce_sum3A_400[0, 0, 0] : f32 from vector<1x1x1xf32>
    %mul3A_402 = arith.constant 0.001953125 : f32
    %mul3A_403 = arith.mulf %reduce_sum3A_395, %mul3A_402 : f32
    %eq3A_404 = arith.constant 5.000000e+00 : f32
    %eq3A_405 = vector.broadcast %eq3A_404 : f32 to vector<1024x1xf32>
    %eq3A_406 = arith.cmpf oeq, %broadcast_in_dim3A_42, %eq3A_405 : vector<1024x1xf32>
    %jit3A_407 = arith.constant 0.000000e+00 : f32
    %broadcast_in_dim3A_408 = vector.broadcast %reduce_sum3A_395 : f32 to vector<1024x1xf32>
    %broadcast_in_dim3A_409 = vector.broadcast %jit3A_407 : f32 to vector<1024x1xf32>
    %select_n3A_410 = arith.select %eq3A_406, %broadcast_in_dim3A_408, %broadcast_in_dim3A_409 : vector<1024x1xi1>, vector<1024x1xf32>
    %add3A_411 = arith.addf %add3A_345, %select_n3A_410 : vector<1024x1xf32>
    %eq3A_412 = arith.constant 5.000000e+00 : f32
    %eq3A_413 = vector.broadcast %eq3A_412 : f32 to vector<1024x1xf32>
    %eq3A_414 = arith.cmpf oeq, %broadcast_in_dim3A_51, %eq3A_413 : vector<1024x1xf32>
    %jit3A_415 = arith.constant 0.000000e+00 : f32
    %broadcast_in_dim3A_416 = vector.broadcast %reduce_sum3A_395 : f32 to vector<1024x1xf32>
    %broadcast_in_dim3A_417 = vector.broadcast %jit3A_415 : f32 to vector<1024x1xf32>
    %select_n3A_418 = arith.select %eq3A_414, %broadcast_in_dim3A_416, %broadcast_in_dim3A_417 : vector<1024x1xi1>, vector<1024x1xf32>
    %add3A_419 = arith.addf %add3A_353, %select_n3A_418 : vector<1024x1xf32>
    %ge3A_420 = vector.broadcast %mul3A_403 : f32 to vector<1x128xf32>
    %ge3A_421 = arith.cmpf oge, %convert_element_type3A, %ge3A_420 : vector<1x128xf32>
    %jit3A_422 = arith.constant 1.000000e+00 : f32
    %jit3A_423 = arith.constant 0.000000e+00 : f32
    %broadcast_in_dim3A_424 = vector.broadcast %jit3A_422 : f32 to vector<1x128xf32>
    %broadcast_in_dim3A_425 = vector.broadcast %jit3A_423 : f32 to vector<1x128xf32>
    %select_n3A_426 = arith.select %ge3A_421, %broadcast_in_dim3A_424, %broadcast_in_dim3A_425 : vector<1x128xi1>, vector<1x128xf32>
    %add3A_427 = arith.addf %add3A_361, %select_n3A_426 : vector<1x128xf32>
    %sub3A_428 = vector.broadcast %mul3A_403 : f32 to vector<1x128xf32>
    %sub3A_429 = arith.subf %convert_element_type3A, %sub3A_428 : vector<1x128xf32>
    %mul3A_430 = arith.constant 5.120000e+02 : f32
    %mul3A_431 = vector.broadcast %mul3A_430 : f32 to vector<1x128xf32>
    %mul3A_432 = arith.mulf %sub3A_429, %mul3A_431 : vector<1x128xf32>
    %sub3A_433 = vector.broadcast %reduce_sum3A_401 : f32 to vector<1x128xf32>
    %sub3A_434 = arith.subf %sub3A_433, %mul3A_432 : vector<1x128xf32>
    %jit3A_435 = arith.constant 0.000000e+00 : f32
    %jit3A_436 = arith.constant 5.120000e+02 : f32
    %max3A_437 = vector.broadcast %jit3A_435 : f32 to vector<1x128xf32>
    %max3A_438 = arith.maximumf %max3A_437, %sub3A_434 : vector<1x128xf32>
    %min3A_439 = vector.broadcast %jit3A_436 : f32 to vector<1x128xf32>
    %min3A_440 = arith.minimumf %min3A_439, %max3A_438 : vector<1x128xf32>
    %ge3A_441 = vector.broadcast %mul3A_403 : f32 to vector<1x128xf32>
    %ge3A_442 = arith.cmpf oge, %convert_element_type3A, %ge3A_441 : vector<1x128xf32>
    %sub3A_443 = arith.subf %min3A_440, %add3A_381 : vector<1x128xf32>
    %jit3A_444 = arith.constant 0.000000e+00 : f32
    %broadcast_in_dim3A_445 = vector.broadcast %jit3A_444 : f32 to vector<1x128xf32>
    %select_n3A_446 = arith.select %ge3A_442, %sub3A_443, %broadcast_in_dim3A_445 : vector<1x128xi1>, vector<1x128xf32>
    %add3A_447 = arith.addf %add3A_381, %select_n3A_446 : vector<1x128xf32>
    %eq3A_448 = arith.constant 6 : i32
    %eq3A_449 = vector.broadcast %eq3A_448 : i32 to vector<1x128xi32>
    %eq3A_450 = arith.cmpi eq, %iota3A_13, %eq3A_449 : vector<1x128xi32>
    %jit3A_451 = arith.constant 1.000000e+00 : f32
    %jit3A_452 = arith.constant 0.000000e+00 : f32
    %broadcast_in_dim3A_453 = vector.broadcast %jit3A_451 : f32 to vector<1x128xf32>
    %broadcast_in_dim3A_454 = vector.broadcast %jit3A_452 : f32 to vector<1x128xf32>
    %select_n3A_455 = arith.select %eq3A_450, %broadcast_in_dim3A_453, %broadcast_in_dim3A_454 : vector<1x128xi1>, vector<1x128xf32>
    %mul3A_456 = arith.mulf %select_n3A_455, %dot_general3A_12 : vector<1x128xf32>
    %reduce_sum3A_457 = vector.shape_cast %mul3A_456 : vector<1x128xf32> to vector<1x1x128xf32>
    %reduce_sum3A_458 = arith.constant dense<0.000000e+00> : vector<1xf32>
    %reduce_sum3A_459 = vector.multi_reduction <add>, %reduce_sum3A_457, %reduce_sum3A_458 [1, 2] : vector<1x1x128xf32> to vector<1xf32>
    %reduce_sum3A_460 = vector.shape_cast %reduce_sum3A_459 : vector<1xf32> to vector<1x1x1xf32>
    %reduce_sum3A_461 = vector.extract %reduce_sum3A_460[0, 0, 0] : f32 from vector<1x1x1xf32>
    %mul3A_462 = arith.mulf %select_n3A_455, %get3A_1 : vector<1x128xf32>
    %reduce_sum3A_463 = vector.shape_cast %mul3A_462 : vector<1x128xf32> to vector<1x1x128xf32>
    %reduce_sum3A_464 = arith.constant dense<0.000000e+00> : vector<1xf32>
    %reduce_sum3A_465 = vector.multi_reduction <add>, %reduce_sum3A_463, %reduce_sum3A_464 [1, 2] : vector<1x1x128xf32> to vector<1xf32>
    %reduce_sum3A_466 = vector.shape_cast %reduce_sum3A_465 : vector<1xf32> to vector<1x1x1xf32>
    %reduce_sum3A_467 = vector.extract %reduce_sum3A_466[0, 0, 0] : f32 from vector<1x1x1xf32>
    %mul3A_468 = arith.constant 0.001953125 : f32
    %mul3A_469 = arith.mulf %reduce_sum3A_461, %mul3A_468 : f32
    %eq3A_470 = arith.constant 6.000000e+00 : f32
    %eq3A_471 = vector.broadcast %eq3A_470 : f32 to vector<1024x1xf32>
    %eq3A_472 = arith.cmpf oeq, %broadcast_in_dim3A_42, %eq3A_471 : vector<1024x1xf32>
    %jit3A_473 = arith.constant 0.000000e+00 : f32
    %broadcast_in_dim3A_474 = vector.broadcast %reduce_sum3A_461 : f32 to vector<1024x1xf32>
    %broadcast_in_dim3A_475 = vector.broadcast %jit3A_473 : f32 to vector<1024x1xf32>
    %select_n3A_476 = arith.select %eq3A_472, %broadcast_in_dim3A_474, %broadcast_in_dim3A_475 : vector<1024x1xi1>, vector<1024x1xf32>
    %add3A_477 = arith.addf %add3A_411, %select_n3A_476 : vector<1024x1xf32>
    %eq3A_478 = arith.constant 6.000000e+00 : f32
    %eq3A_479 = vector.broadcast %eq3A_478 : f32 to vector<1024x1xf32>
    %eq3A_480 = arith.cmpf oeq, %broadcast_in_dim3A_51, %eq3A_479 : vector<1024x1xf32>
    %jit3A_481 = arith.constant 0.000000e+00 : f32
    %broadcast_in_dim3A_482 = vector.broadcast %reduce_sum3A_461 : f32 to vector<1024x1xf32>
    %broadcast_in_dim3A_483 = vector.broadcast %jit3A_481 : f32 to vector<1024x1xf32>
    %select_n3A_484 = arith.select %eq3A_480, %broadcast_in_dim3A_482, %broadcast_in_dim3A_483 : vector<1024x1xi1>, vector<1024x1xf32>
    %add3A_485 = arith.addf %add3A_419, %select_n3A_484 : vector<1024x1xf32>
    %ge3A_486 = vector.broadcast %mul3A_469 : f32 to vector<1x128xf32>
    %ge3A_487 = arith.cmpf oge, %convert_element_type3A, %ge3A_486 : vector<1x128xf32>
    %jit3A_488 = arith.constant 1.000000e+00 : f32
    %jit3A_489 = arith.constant 0.000000e+00 : f32
    %broadcast_in_dim3A_490 = vector.broadcast %jit3A_488 : f32 to vector<1x128xf32>
    %broadcast_in_dim3A_491 = vector.broadcast %jit3A_489 : f32 to vector<1x128xf32>
    %select_n3A_492 = arith.select %ge3A_487, %broadcast_in_dim3A_490, %broadcast_in_dim3A_491 : vector<1x128xi1>, vector<1x128xf32>
    %add3A_493 = arith.addf %add3A_427, %select_n3A_492 : vector<1x128xf32>
    %sub3A_494 = vector.broadcast %mul3A_469 : f32 to vector<1x128xf32>
    %sub3A_495 = arith.subf %convert_element_type3A, %sub3A_494 : vector<1x128xf32>
    %mul3A_496 = arith.constant 5.120000e+02 : f32
    %mul3A_497 = vector.broadcast %mul3A_496 : f32 to vector<1x128xf32>
    %mul3A_498 = arith.mulf %sub3A_495, %mul3A_497 : vector<1x128xf32>
    %sub3A_499 = vector.broadcast %reduce_sum3A_467 : f32 to vector<1x128xf32>
    %sub3A_500 = arith.subf %sub3A_499, %mul3A_498 : vector<1x128xf32>
    %jit3A_501 = arith.constant 0.000000e+00 : f32
    %jit3A_502 = arith.constant 5.120000e+02 : f32
    %max3A_503 = vector.broadcast %jit3A_501 : f32 to vector<1x128xf32>
    %max3A_504 = arith.maximumf %max3A_503, %sub3A_500 : vector<1x128xf32>
    %min3A_505 = vector.broadcast %jit3A_502 : f32 to vector<1x128xf32>
    %min3A_506 = arith.minimumf %min3A_505, %max3A_504 : vector<1x128xf32>
    %ge3A_507 = vector.broadcast %mul3A_469 : f32 to vector<1x128xf32>
    %ge3A_508 = arith.cmpf oge, %convert_element_type3A, %ge3A_507 : vector<1x128xf32>
    %sub3A_509 = arith.subf %min3A_506, %add3A_447 : vector<1x128xf32>
    %jit3A_510 = arith.constant 0.000000e+00 : f32
    %broadcast_in_dim3A_511 = vector.broadcast %jit3A_510 : f32 to vector<1x128xf32>
    %select_n3A_512 = arith.select %ge3A_508, %sub3A_509, %broadcast_in_dim3A_511 : vector<1x128xi1>, vector<1x128xf32>
    %add3A_513 = arith.addf %add3A_447, %select_n3A_512 : vector<1x128xf32>
    %eq3A_514 = arith.constant 7 : i32
    %eq3A_515 = vector.broadcast %eq3A_514 : i32 to vector<1x128xi32>
    %eq3A_516 = arith.cmpi eq, %iota3A_13, %eq3A_515 : vector<1x128xi32>
    %jit3A_517 = arith.constant 1.000000e+00 : f32
    %jit3A_518 = arith.constant 0.000000e+00 : f32
    %broadcast_in_dim3A_519 = vector.broadcast %jit3A_517 : f32 to vector<1x128xf32>
    %broadcast_in_dim3A_520 = vector.broadcast %jit3A_518 : f32 to vector<1x128xf32>
    %select_n3A_521 = arith.select %eq3A_516, %broadcast_in_dim3A_519, %broadcast_in_dim3A_520 : vector<1x128xi1>, vector<1x128xf32>
    %mul3A_522 = arith.mulf %select_n3A_521, %dot_general3A_12 : vector<1x128xf32>
    %reduce_sum3A_523 = vector.shape_cast %mul3A_522 : vector<1x128xf32> to vector<1x1x128xf32>
    %reduce_sum3A_524 = arith.constant dense<0.000000e+00> : vector<1xf32>
    %reduce_sum3A_525 = vector.multi_reduction <add>, %reduce_sum3A_523, %reduce_sum3A_524 [1, 2] : vector<1x1x128xf32> to vector<1xf32>
    %reduce_sum3A_526 = vector.shape_cast %reduce_sum3A_525 : vector<1xf32> to vector<1x1x1xf32>
    %reduce_sum3A_527 = vector.extract %reduce_sum3A_526[0, 0, 0] : f32 from vector<1x1x1xf32>
    %mul3A_528 = arith.mulf %select_n3A_521, %get3A_1 : vector<1x128xf32>
    %reduce_sum3A_529 = vector.shape_cast %mul3A_528 : vector<1x128xf32> to vector<1x1x128xf32>
    %reduce_sum3A_530 = arith.constant dense<0.000000e+00> : vector<1xf32>
    %reduce_sum3A_531 = vector.multi_reduction <add>, %reduce_sum3A_529, %reduce_sum3A_530 [1, 2] : vector<1x1x128xf32> to vector<1xf32>
    %reduce_sum3A_532 = vector.shape_cast %reduce_sum3A_531 : vector<1xf32> to vector<1x1x1xf32>
    %reduce_sum3A_533 = vector.extract %reduce_sum3A_532[0, 0, 0] : f32 from vector<1x1x1xf32>
    %mul3A_534 = arith.constant 0.001953125 : f32
    %mul3A_535 = arith.mulf %reduce_sum3A_527, %mul3A_534 : f32
    %eq3A_536 = arith.constant 7.000000e+00 : f32
    %eq3A_537 = vector.broadcast %eq3A_536 : f32 to vector<1024x1xf32>
    %eq3A_538 = arith.cmpf oeq, %broadcast_in_dim3A_42, %eq3A_537 : vector<1024x1xf32>
    %jit3A_539 = arith.constant 0.000000e+00 : f32
    %broadcast_in_dim3A_540 = vector.broadcast %reduce_sum3A_527 : f32 to vector<1024x1xf32>
    %broadcast_in_dim3A_541 = vector.broadcast %jit3A_539 : f32 to vector<1024x1xf32>
    %select_n3A_542 = arith.select %eq3A_538, %broadcast_in_dim3A_540, %broadcast_in_dim3A_541 : vector<1024x1xi1>, vector<1024x1xf32>
    %add3A_543 = arith.addf %add3A_477, %select_n3A_542 : vector<1024x1xf32>
    %eq3A_544 = arith.constant 7.000000e+00 : f32
    %eq3A_545 = vector.broadcast %eq3A_544 : f32 to vector<1024x1xf32>
    %eq3A_546 = arith.cmpf oeq, %broadcast_in_dim3A_51, %eq3A_545 : vector<1024x1xf32>
    %jit3A_547 = arith.constant 0.000000e+00 : f32
    %broadcast_in_dim3A_548 = vector.broadcast %reduce_sum3A_527 : f32 to vector<1024x1xf32>
    %broadcast_in_dim3A_549 = vector.broadcast %jit3A_547 : f32 to vector<1024x1xf32>
    %select_n3A_550 = arith.select %eq3A_546, %broadcast_in_dim3A_548, %broadcast_in_dim3A_549 : vector<1024x1xi1>, vector<1024x1xf32>
    %add3A_551 = arith.addf %add3A_485, %select_n3A_550 : vector<1024x1xf32>
    %ge3A_552 = vector.broadcast %mul3A_535 : f32 to vector<1x128xf32>
    %ge3A_553 = arith.cmpf oge, %convert_element_type3A, %ge3A_552 : vector<1x128xf32>
    %jit3A_554 = arith.constant 1.000000e+00 : f32
    %jit3A_555 = arith.constant 0.000000e+00 : f32
    %broadcast_in_dim3A_556 = vector.broadcast %jit3A_554 : f32 to vector<1x128xf32>
    %broadcast_in_dim3A_557 = vector.broadcast %jit3A_555 : f32 to vector<1x128xf32>
    %select_n3A_558 = arith.select %ge3A_553, %broadcast_in_dim3A_556, %broadcast_in_dim3A_557 : vector<1x128xi1>, vector<1x128xf32>
    %add3A_559 = arith.addf %add3A_493, %select_n3A_558 : vector<1x128xf32>
    %sub3A_560 = vector.broadcast %mul3A_535 : f32 to vector<1x128xf32>
    %sub3A_561 = arith.subf %convert_element_type3A, %sub3A_560 : vector<1x128xf32>
    %mul3A_562 = arith.constant 5.120000e+02 : f32
    %mul3A_563 = vector.broadcast %mul3A_562 : f32 to vector<1x128xf32>
    %mul3A_564 = arith.mulf %sub3A_561, %mul3A_563 : vector<1x128xf32>
    %sub3A_565 = vector.broadcast %reduce_sum3A_533 : f32 to vector<1x128xf32>
    %sub3A_566 = arith.subf %sub3A_565, %mul3A_564 : vector<1x128xf32>
    %jit3A_567 = arith.constant 0.000000e+00 : f32
    %jit3A_568 = arith.constant 5.120000e+02 : f32
    %max3A_569 = vector.broadcast %jit3A_567 : f32 to vector<1x128xf32>
    %max3A_570 = arith.maximumf %max3A_569, %sub3A_566 : vector<1x128xf32>
    %min3A_571 = vector.broadcast %jit3A_568 : f32 to vector<1x128xf32>
    %min3A_572 = arith.minimumf %min3A_571, %max3A_570 : vector<1x128xf32>
    %ge3A_573 = vector.broadcast %mul3A_535 : f32 to vector<1x128xf32>
    %ge3A_574 = arith.cmpf oge, %convert_element_type3A, %ge3A_573 : vector<1x128xf32>
    %sub3A_575 = arith.subf %min3A_572, %add3A_513 : vector<1x128xf32>
    %jit3A_576 = arith.constant 0.000000e+00 : f32
    %broadcast_in_dim3A_577 = vector.broadcast %jit3A_576 : f32 to vector<1x128xf32>
    %select_n3A_578 = arith.select %ge3A_574, %sub3A_575, %broadcast_in_dim3A_577 : vector<1x128xi1>, vector<1x128xf32>
    %add3A_579 = arith.addf %add3A_513, %select_n3A_578 : vector<1x128xf32>
    %convert_element_type3A_580 = arith.fptosi %add3A_543 : vector<1024x1xf32> to vector<1024x1xi32>
    %swap3A = arith.constant 0 : index
    %swap3A_581 = arith.constant 0 : index
    %swap3A_582 = vector.load %arg3[%swap3A, %swap3A_581] : memref<1024x1xi32, #tpu.memory_space<vmem>>, vector<1024x1xi32>
    tpu.vector_store %arg3[%swap3A, %swap3A_581], %convert_element_type3A_580 {strides = array<i32>} : memref<1024x1xi32, #tpu.memory_space<vmem>>, vector<1024x1xi32>,
    %convert_element_type3A_583 = arith.fptosi %add3A_551 : vector<1024x1xf32> to vector<1024x1xi32>
    %swap3A_584 = arith.constant 0 : index
    %swap3A_585 = arith.constant 0 : index
    %swap3A_586 = vector.load %arg4[%swap3A_584, %swap3A_585] : memref<1024x1xi32, #tpu.memory_space<vmem>>, vector<1024x1xi32>
    tpu.vector_store %arg4[%swap3A_584, %swap3A_585], %convert_element_type3A_583 {strides = array<i32>} : memref<1024x1xi32, #tpu.memory_space<vmem>>, vector<1024x1xi32>,
    %jit3A_587 = arith.constant 0.000000e+00 : f32
    %jit3A_588 = arith.constant 7.000000e+00 : f32
    %max3A_589 = vector.broadcast %jit3A_587 : f32 to vector<1x128xf32>
    %max3A_590 = arith.maximumf %max3A_589, %add3A_559 : vector<1x128xf32>
    %min3A_591 = vector.broadcast %jit3A_588 : f32 to vector<1x128xf32>
    %min3A_592 = arith.minimumf %min3A_591, %max3A_590 : vector<1x128xf32>
    %convert_element_type3A_593 = arith.fptosi %min3A_592 : vector<1x128xf32> to vector<1x128xi32>
    %swap3A_594 = arith.constant 0 : index
    %swap3A_595 = arith.constant 0 : index
    %swap3A_596 = vector.load %arg5[%swap3A_594, %swap3A_595] : memref<1x128xi32, #tpu.memory_space<vmem>>, vector<1x128xi32>
    tpu.vector_store %arg5[%swap3A_594, %swap3A_595], %convert_element_type3A_593 {strides = array<i32>} : memref<1x128xi32, #tpu.memory_space<vmem>>, vector<1x128xi32>,
    %convert_element_type3A_597 = arith.fptosi %add3A_579 : vector<1x128xf32> to vector<1x128xi32>
    %swap3A_598 = arith.constant 0 : index
    %swap3A_599 = arith.constant 0 : index
    %swap3A_600 = vector.load %arg6[%swap3A_598, %swap3A_599] : memref<1x128xi32, #tpu.memory_space<vmem>>, vector<1x128xi32>
    tpu.vector_store %arg6[%swap3A_598, %swap3A_599], %convert_element_type3A_597 {strides = array<i32>} : memref<1x128xi32, #tpu.memory_space<vmem>>, vector<1x128xi32>,
    return
  }
  func.func @transform_0(%arg0: i32) -> (i32, i32) {
    %c0_i32 = arith.constant 0 : i32
    %c0_i32_0 = arith.constant 0 : i32
    %c0_i32_1 = arith.constant 0 : i32
    return %c0_i32, %c0_i32_0 : i32, i32
  }
  func.func @transform_1(%arg0: i32) -> (i32, i32) {
    %c0_i32 = arith.constant 0 : i32
    %c0_i32_0 = arith.constant 0 : i32
    return %arg0, %c0_i32 : i32, i32
  }
  func.func @transform_2(%arg0: i32) -> (i32, i32) {
    %c0_i32 = arith.constant 0 : i32
    %c0_i32_0 = arith.constant 0 : i32
    return %arg0, %c0_i32 : i32, i32
  }
  func.func @transform_3(%arg0: i32) -> (i32, i32) {
    %c0_i32 = arith.constant 0 : i32
    %c0_i32_0 = arith.constant 0 : i32
    return %arg0, %c0_i32 : i32, i32
  }
  func.func @transform_4(%arg0: i32) -> (i32, i32) {
    %c0_i32 = arith.constant 0 : i32
    %c0_i32_0 = arith.constant 0 : i32
    %c0_i32_1 = arith.constant 0 : i32
    return %c0_i32, %c0_i32_0 : i32, i32
  }
  func.func @transform_5(%arg0: i32) -> (i32, i32) {
    %c0_i32 = arith.constant 0 : i32
    %c0_i32_0 = arith.constant 0 : i32
    %c0_i32_1 = arith.constant 0 : i32
    return %c0_i32, %c0_i32_0 : i32, i32
  }
}

module attributes {stable_mosaic.version = 14 : i64} {
  func.func @_stage_a(%arg0: i32, %arg1: memref<1024x1024xf32, #tpu.memory_space<vmem>>, %arg2: memref<1x1024xf32, #tpu.memory_space<vmem>>, %arg3: memref<1024x128xf32, #tpu.memory_space<vmem>>, %arg4: memref<1024x1024xbf16, #tpu.memory_space<vmem>>, %arg5: memref<1024x512xi32, #tpu.memory_space<vmem>>, %arg6: memref<1024x128xf32, #tpu.memory_space<vmem>>, %arg7: memref<1x128xf32, #tpu.memory_space<vmem>>, %arg8: memref<1x128xf32, #tpu.memory_space<vmem>>) attributes {dimension_semantics = [#tpu.dimension_semantics<arbitrary>], iteration_bounds = array<i64: 4>, scalar_prefetch = 0 : i64, scratch_operands = 1 : i64, tpu.core_type = #tpu.core_type<tc>, window_params = [{transform_indices = @transform_0, window_bounds = array<i64: 1024, 1024>}, {pipeline_mode = #tpu.pipeline_mode<synchronous>, transform_indices = @transform_1, window_bounds = array<i64: 1, 1024>}, {pipeline_mode = #tpu.pipeline_mode<synchronous>, transform_indices = @transform_2, window_bounds = array<i64: 1024, 128>}, {pipeline_mode = #tpu.pipeline_mode<synchronous>, transform_indices = @transform_3, window_bounds = array<i64: 1024, 1024>}, {transform_indices = @transform_4, window_bounds = array<i64: 1024, 512>}, {transform_indices = @transform_5, window_bounds = array<i64: 1024, 128>}, {pipeline_mode = #tpu.pipeline_mode<synchronous>, transform_indices = @transform_6, window_bounds = array<i64: 1, 128>}]} {
    %eq3A = arith.constant 0 : i32
    %eq3A_0 = arith.cmpi eq, %arg0, %eq3A : i32
    %convert_element_type3A = arith.extui %eq3A_0 : i1 to i32
    %cond3A = arith.constant 0 : i32
    %cond3A_1 = arith.cmpi ne, %convert_element_type3A, %cond3A : i32
    scf.if %cond3A_1 {
      %broadcast_in_dim3A_185 = arith.constant 0.000000e+00 : f32
      %broadcast_in_dim3A_186 = vector.broadcast %broadcast_in_dim3A_185 : f32 to vector<1x128xf32>
      %swap3A_187 = arith.constant 0 : index
      %swap3A_188 = arith.constant 0 : index
      %swap3A_189 = vector.load %arg8[%swap3A_187, %swap3A_188] : memref<1x128xf32, #tpu.memory_space<vmem>>, vector<1x128xf32>
      tpu.vector_store %arg8[%swap3A_187, %swap3A_188], %broadcast_in_dim3A_186 {strides = array<i32>} : memref<1x128xf32, #tpu.memory_space<vmem>>, vector<1x128xf32>,
    } else {
    }
    %get3A = arith.constant 0 : index
    %get3A_2 = arith.constant 0 : index
    %get3A_3 = vector.load %arg1[%get3A, %get3A_2] : memref<1024x1024xf32, #tpu.memory_space<vmem>>, vector<1024x1024xf32>
    %mul3A = arith.mulf %get3A_3, %get3A_3 : vector<1024x1024xf32>
    %reduce_sum3A = arith.constant dense<0.000000e+00> : vector<1024xf32>
    %reduce_sum3A_4 = vector.multi_reduction <add>, %mul3A, %reduce_sum3A [1] : vector<1024x1024xf32> to vector<1024xf32>
    %broadcast_in_dim3A = vector.shape_cast %reduce_sum3A_4 : vector<1024xf32> to vector<1024x1xf32>
    %div3A = arith.constant 1.024000e+03 : f32
    %div3A_5 = vector.broadcast %div3A : f32 to vector<1024x1xf32>
    %div3A_6 = arith.divf %broadcast_in_dim3A, %div3A_5 : vector<1024x1xf32>
    %add3A = arith.constant 9.99999997E-7 : f32
    %add3A_7 = vector.broadcast %add3A : f32 to vector<1024x1xf32>
    %add3A_8 = arith.addf %div3A_6, %add3A_7 : vector<1024x1xf32>
    %rsqrt3A = math.rsqrt %add3A_8 : vector<1024x1xf32>
    %mul3A_9 = vector.broadcast %rsqrt3A : vector<1024x1xf32> to vector<1024x1024xf32>
    %mul3A_10 = arith.mulf %get3A_3, %mul3A_9 : vector<1024x1024xf32>
    %get3A_11 = arith.constant 0 : index
    %get3A_12 = arith.constant 0 : index
    %get3A_13 = vector.load %arg2[%get3A_11, %get3A_12] : memref<1x1024xf32, #tpu.memory_space<vmem>>, vector<1x1024xf32>
    %mul3A_14 = vector.broadcast %get3A_13 : vector<1x1024xf32> to vector<1024x1024xf32>
    %mul3A_15 = arith.mulf %mul3A_10, %mul3A_14 : vector<1024x1024xf32>
    %bitcast_convert_type3A = tpu.bitcast %mul3A_15 : vector<1024x1024xf32> -> vector<1024x1024xi32>
    %add3A_16 = arith.constant 32768 : i32
    %add3A_17 = vector.broadcast %add3A_16 : i32 to vector<1024x1024xi32>
    %add3A_18 = arith.addi %bitcast_convert_type3A, %add3A_17 : vector<1024x1024xi32>
    %slice3A = vector.extract_strided_slice %add3A_18 {offsets = [0, 0], sizes = [1024, 512], strides = [1, 1]} : vector<1024x1024xi32> to vector<1024x512xi32>
    %shift_right_logical3A = arith.constant 16 : i32
    %shift_right_logical3A_19 = vector.broadcast %shift_right_logical3A : i32 to vector<1024x512xi32>
    %shift_right_logical3A_20 = arith.shrui %slice3A, %shift_right_logical3A_19 : vector<1024x512xi32>
    %slice3A_21 = vector.extract_strided_slice %add3A_18 {offsets = [0, 512], sizes = [1024, 512], strides = [1, 1]} : vector<1024x1024xi32> to vector<1024x512xi32>
    %and3A = arith.constant -65536 : i32
    %and3A_22 = vector.broadcast %and3A : i32 to vector<1024x512xi32>
    %and3A_23 = arith.andi %slice3A_21, %and3A_22 : vector<1024x512xi32>
    %or3A = arith.ori %and3A_23, %shift_right_logical3A_20 : vector<1024x512xi32>
    %swap3A = arith.constant 0 : index
    %swap3A_24 = arith.constant 0 : index
    %swap3A_25 = vector.load %arg5[%swap3A, %swap3A_24] : memref<1024x512xi32, #tpu.memory_space<vmem>>, vector<1024x512xi32>
    tpu.vector_store %arg5[%swap3A, %swap3A_24], %or3A {strides = array<i32>} : memref<1024x512xi32, #tpu.memory_space<vmem>>, vector<1024x512xi32>,
    %get3A_26 = arith.constant 0 : index
    %get3A_27 = arith.constant 0 : index
    %get3A_28 = vector.load %arg3[%get3A_26, %get3A_27] : memref<1024x128xf32, #tpu.memory_space<vmem>>, vector<1024x128xf32>
    %dot_general3A = arith.constant dense<0.000000e+00> : vector<1024x128xf32>
    %dot_general3A_29 = tpu.matmul %mul3A_15, %get3A_28, %dot_general3A {dimension_numbers = #tpu.dot_dimension_numbers<[1], [0], [0], [1], [0, 0, 1, 1], [], []>, transpose_lhs_hint = false} : vector<1024x1024xf32>, vector<1024x128xf32>, vector<1024x128xf32> -> vector<1024x128xf32>
    %iota3A = tpu.iota {dimensions = array<i32: 1>} : vector<1024x128xi32>
    %lt3A = arith.constant 8 : i32
    %lt3A_30 = vector.broadcast %lt3A : i32 to vector<1024x128xi32>
    %lt3A_31 = arith.cmpi slt, %iota3A, %lt3A_30 : vector<1024x128xi32>
    %jit3A = arith.constant -1.000000e+30 : f32
    %broadcast_in_dim3A_32 = vector.broadcast %jit3A : f32 to vector<1024x128xf32>
    %select_n3A = arith.select %lt3A_31, %dot_general3A_29, %broadcast_in_dim3A_32 : vector<1024x128xi1>, vector<1024x128xf32>
    %reduce_max3A = arith.constant dense<0xFF800000> : vector<1024xf32>
    %reduce_max3A_33 = vector.multi_reduction <maximumf>, %select_n3A, %reduce_max3A [1] : vector<1024x128xf32> to vector<1024xf32>
    %broadcast_in_dim3A_34 = vector.shape_cast %reduce_max3A_33 : vector<1024xf32> to vector<1024x1xf32>
    %sub3A = vector.broadcast %broadcast_in_dim3A_34 : vector<1024x1xf32> to vector<1024x128xf32>
    %sub3A_35 = arith.subf %select_n3A, %sub3A : vector<1024x128xf32>
    %exp3A = math.exp %sub3A_35 : vector<1024x128xf32>
    %jit3A_36 = arith.constant 0.000000e+00 : f32
    %broadcast_in_dim3A_37 = vector.broadcast %jit3A_36 : f32 to vector<1024x128xf32>
    %select_n3A_38 = arith.select %lt3A_31, %exp3A, %broadcast_in_dim3A_37 : vector<1024x128xi1>, vector<1024x128xf32>
    %reduce_sum3A_39 = arith.constant dense<0.000000e+00> : vector<1024xf32>
    %reduce_sum3A_40 = vector.multi_reduction <add>, %select_n3A_38, %reduce_sum3A_39 [1] : vector<1024x128xf32> to vector<1024xf32>
    %broadcast_in_dim3A_41 = vector.shape_cast %reduce_sum3A_40 : vector<1024xf32> to vector<1024x1xf32>
    %div3A_42 = vector.broadcast %broadcast_in_dim3A_41 : vector<1024x1xf32> to vector<1024x128xf32>
    %div3A_43 = arith.divf %select_n3A_38, %div3A_42 : vector<1024x128xf32>
    %reduce_max3A_44 = arith.constant dense<0xFF800000> : vector<1024xf32>
    %reduce_max3A_45 = vector.multi_reduction <maximumf>, %div3A_43, %reduce_max3A_44 [1] : vector<1024x128xf32> to vector<1024xf32>
    %broadcast_in_dim3A_46 = vector.shape_cast %reduce_max3A_45 : vector<1024xf32> to vector<1024x1xf32>
    %eq3A_47 = vector.broadcast %broadcast_in_dim3A_46 : vector<1024x1xf32> to vector<1024x128xf32>
    %eq3A_48 = arith.cmpf oeq, %div3A_43, %eq3A_47 : vector<1024x128xf32>
    %jit3A_49 = arith.constant -1.000000e+00 : f32
    %broadcast_in_dim3A_50 = vector.broadcast %jit3A_49 : f32 to vector<1024x128xf32>
    %select_n3A_51 = arith.select %eq3A_48, %broadcast_in_dim3A_50, %div3A_43 : vector<1024x128xi1>, vector<1024x128xf32>
    %reduce_max3A_52 = arith.constant dense<0xFF800000> : vector<1024xf32>
    %reduce_max3A_53 = vector.multi_reduction <maximumf>, %select_n3A_51, %reduce_max3A_52 [1] : vector<1024x128xf32> to vector<1024xf32>
    %broadcast_in_dim3A_54 = vector.shape_cast %reduce_max3A_53 : vector<1024xf32> to vector<1024x1xf32>
    %eq3A_55 = vector.broadcast %broadcast_in_dim3A_46 : vector<1024x1xf32> to vector<1024x128xf32>
    %eq3A_56 = arith.cmpf oeq, %div3A_43, %eq3A_55 : vector<1024x128xf32>
    %eq3A_57 = vector.broadcast %broadcast_in_dim3A_54 : vector<1024x1xf32> to vector<1024x128xf32>
    %eq3A_58 = arith.cmpf oeq, %div3A_43, %eq3A_57 : vector<1024x128xf32>
    %or3A_59 = arith.ori %eq3A_56, %eq3A_58 : vector<1024x128xi1>
    %jit3A_60 = arith.constant 1.000000e+00 : f32
    %jit3A_61 = arith.constant 0.000000e+00 : f32
    %broadcast_in_dim3A_62 = vector.broadcast %jit3A_60 : f32 to vector<1024x128xf32>
    %broadcast_in_dim3A_63 = vector.broadcast %jit3A_61 : f32 to vector<1024x128xf32>
    %select_n3A_64 = arith.select %or3A_59, %broadcast_in_dim3A_62, %broadcast_in_dim3A_63 : vector<1024x128xi1>, vector<1024x128xf32>
    %get3A_65 = arith.constant 0 : index
    %get3A_66 = arith.constant 0 : index
    %get3A_67 = vector.load %arg4[%get3A_65, %get3A_66] : memref<1024x1024xbf16, #tpu.memory_space<vmem>>, vector<1024x1024xbf16>
    %convert_element_type3A_68 = arith.truncf %select_n3A_64 : vector<1024x128xf32> to vector<1024x128xbf16>
    %dot_general3A_69 = arith.constant dense<0.000000e+00> : vector<1024x128xf32>
    %dot_general3A_70 = tpu.matmul %get3A_67, %convert_element_type3A_68, %dot_general3A_69 {dimension_numbers = #tpu.dot_dimension_numbers<[1], [0], [0], [1], [0, 0, 1, 1], [], []>, transpose_lhs_hint = false} : vector<1024x1024xbf16>, vector<1024x128xbf16>, vector<1024x128xf32> -> vector<1024x128xf32>
    %get3A_71 = arith.constant 0 : index
    %get3A_72 = arith.constant 0 : index
    %get3A_73 = vector.load %arg8[%get3A_71, %get3A_72] : memref<1x128xf32, #tpu.memory_space<vmem>>, vector<1x128xf32>
    %add3A_74 = vector.broadcast %get3A_73 : vector<1x128xf32> to vector<1024x128xf32>
    %add3A_75 = arith.addf %dot_general3A_70, %add3A_74 : vector<1024x128xf32>
    %convert_element_type3A_76 = arith.sitofp %iota3A : vector<1024x128xi32> to vector<1024x128xf32>
    %jit3A_77 = arith.constant 1.000000e+09 : f32
    %broadcast_in_dim3A_78 = vector.broadcast %jit3A_77 : f32 to vector<1024x128xf32>
    %select_n3A_79 = arith.select %or3A_59, %convert_element_type3A_76, %broadcast_in_dim3A_78 : vector<1024x128xi1>, vector<1024x128xf32>
    %reduce_min3A = arith.constant dense<0x7F800000> : vector<1024xf32>
    %reduce_min3A_80 = vector.multi_reduction <minimumf>, %select_n3A_79, %reduce_min3A [1] : vector<1024x128xf32> to vector<1024xf32>
    %broadcast_in_dim3A_81 = vector.shape_cast %reduce_min3A_80 : vector<1024xf32> to vector<1024x1xf32>
    %jit3A_82 = arith.constant -1.000000e+00 : f32
    %broadcast_in_dim3A_83 = vector.broadcast %jit3A_82 : f32 to vector<1024x128xf32>
    %select_n3A_84 = arith.select %or3A_59, %convert_element_type3A_76, %broadcast_in_dim3A_83 : vector<1024x128xi1>, vector<1024x128xf32>
    %reduce_max3A_85 = arith.constant dense<0xFF800000> : vector<1024xf32>
    %reduce_max3A_86 = vector.multi_reduction <maximumf>, %select_n3A_84, %reduce_max3A_85 [1] : vector<1024x128xf32> to vector<1024xf32>
    %broadcast_in_dim3A_87 = vector.shape_cast %reduce_max3A_86 : vector<1024xf32> to vector<1024x1xf32>
    %eq3A_88 = vector.broadcast %broadcast_in_dim3A_81 : vector<1024x1xf32> to vector<1024x128xf32>
    %eq3A_89 = arith.cmpf oeq, %convert_element_type3A_76, %eq3A_88 : vector<1024x128xf32>
    %eq3A_90 = vector.broadcast %broadcast_in_dim3A_87 : vector<1024x1xf32> to vector<1024x128xf32>
    %eq3A_91 = arith.cmpf oeq, %convert_element_type3A_76, %eq3A_90 : vector<1024x128xf32>
    %jit3A_92 = arith.constant 0.000000e+00 : f32
    %broadcast_in_dim3A_93 = vector.broadcast %jit3A_92 : f32 to vector<1024x128xf32>
    %select_n3A_94 = arith.select %eq3A_89, %div3A_43, %broadcast_in_dim3A_93 : vector<1024x128xi1>, vector<1024x128xf32>
    %reduce_sum3A_95 = arith.constant dense<0.000000e+00> : vector<1024xf32>
    %reduce_sum3A_96 = vector.multi_reduction <add>, %select_n3A_94, %reduce_sum3A_95 [1] : vector<1024x128xf32> to vector<1024xf32>
    %broadcast_in_dim3A_97 = vector.shape_cast %reduce_sum3A_96 : vector<1024xf32> to vector<1024x1xf32>
    %jit3A_98 = arith.constant 0.000000e+00 : f32
    %broadcast_in_dim3A_99 = vector.broadcast %jit3A_98 : f32 to vector<1024x128xf32>
    %select_n3A_100 = arith.select %eq3A_91, %div3A_43, %broadcast_in_dim3A_99 : vector<1024x128xi1>, vector<1024x128xf32>
    %reduce_sum3A_101 = arith.constant dense<0.000000e+00> : vector<1024xf32>
    %reduce_sum3A_102 = vector.multi_reduction <add>, %select_n3A_100, %reduce_sum3A_101 [1] : vector<1024x128xf32> to vector<1024xf32>
    %broadcast_in_dim3A_103 = vector.shape_cast %reduce_sum3A_102 : vector<1024xf32> to vector<1024x1xf32>
    %jit3A_104 = arith.constant 0.000000e+00 : f32
    %broadcast_in_dim3A_105 = vector.broadcast %jit3A_104 : f32 to vector<1024x128xf32>
    %select_n3A_106 = arith.select %eq3A_89, %add3A_75, %broadcast_in_dim3A_105 : vector<1024x128xi1>, vector<1024x128xf32>
    %reduce_sum3A_107 = arith.constant dense<0.000000e+00> : vector<1024xf32>
    %reduce_sum3A_108 = vector.multi_reduction <add>, %select_n3A_106, %reduce_sum3A_107 [1] : vector<1024x128xf32> to vector<1024xf32>
    %broadcast_in_dim3A_109 = vector.shape_cast %reduce_sum3A_108 : vector<1024xf32> to vector<1024x1xf32>
    %jit3A_110 = arith.constant 0.000000e+00 : f32
    %broadcast_in_dim3A_111 = vector.broadcast %jit3A_110 : f32 to vector<1024x128xf32>
    %select_n3A_112 = arith.select %eq3A_91, %add3A_75, %broadcast_in_dim3A_111 : vector<1024x128xi1>, vector<1024x128xf32>
    %reduce_sum3A_113 = arith.constant dense<0.000000e+00> : vector<1024xf32>
    %reduce_sum3A_114 = vector.multi_reduction <add>, %select_n3A_112, %reduce_sum3A_113 [1] : vector<1024x128xf32> to vector<1024xf32>
    %broadcast_in_dim3A_115 = vector.shape_cast %reduce_sum3A_114 : vector<1024xf32> to vector<1024x1xf32>
    %get3A_116 = arith.constant 0 : index
    %get3A_117 = arith.constant 0 : index
    %get3A_118 = vector.load %arg8[%get3A_116, %get3A_117] : memref<1x128xf32, #tpu.memory_space<vmem>>, vector<1x128xf32>
    %reduce_sum3A_119 = arith.constant dense<0.000000e+00> : vector<128xf32>
    %reduce_sum3A_120 = vector.multi_reduction <add>, %select_n3A_64, %reduce_sum3A_119 [0] : vector<1024x128xf32> to vector<128xf32>
    %broadcast_in_dim3A_121 = vector.shape_cast %reduce_sum3A_120 : vector<128xf32> to vector<1x128xf32>
    %add3A_122 = arith.addf %get3A_118, %broadcast_in_dim3A_121 : vector<1x128xf32>
    %swap3A_123 = arith.constant 0 : index
    %swap3A_124 = arith.constant 0 : index
    %swap3A_125 = vector.load %arg8[%swap3A_123, %swap3A_124] : memref<1x128xf32, #tpu.memory_space<vmem>>, vector<1x128xf32>
    tpu.vector_store %arg8[%swap3A_123, %swap3A_124], %add3A_122 {strides = array<i32>} : memref<1x128xf32, #tpu.memory_space<vmem>>, vector<1x128xf32>,
    %swap3A_126 = arith.constant 0 : index
    %swap3A_127 = arith.constant 0 : index
    %swap3A_128 = vector.load %arg7[%swap3A_126, %swap3A_127] : memref<1x128xf32, #tpu.memory_space<vmem>>, vector<1x128xf32>
    tpu.vector_store %arg7[%swap3A_126, %swap3A_127], %add3A_122 {strides = array<i32>} : memref<1x128xf32, #tpu.memory_space<vmem>>, vector<1x128xf32>,
    %eq3A_129 = arith.constant 0 : i32
    %eq3A_130 = vector.broadcast %eq3A_129 : i32 to vector<1024x128xi32>
    %eq3A_131 = arith.cmpi eq, %iota3A, %eq3A_130 : vector<1024x128xi32>
    %jit3A_132 = arith.constant 0.000000e+00 : f32
    %broadcast_in_dim3A_133 = vector.shape_cast %broadcast_in_dim3A_109 : vector<1024x1xf32> to vector<1024x1xf32>
    %broadcast_in_dim3A_134 = vector.broadcast %broadcast_in_dim3A_133 : vector<1024x1xf32> to vector<1024x128xf32>
    %broadcast_in_dim3A_135 = vector.broadcast %jit3A_132 : f32 to vector<1024x128xf32>
    %select_n3A_136 = arith.select %eq3A_131, %broadcast_in_dim3A_134, %broadcast_in_dim3A_135 : vector<1024x128xi1>, vector<1024x128xf32>
    %eq3A_137 = arith.constant 1 : i32
    %eq3A_138 = vector.broadcast %eq3A_137 : i32 to vector<1024x128xi32>
    %eq3A_139 = arith.cmpi eq, %iota3A, %eq3A_138 : vector<1024x128xi32>
    %jit3A_140 = arith.constant 0.000000e+00 : f32
    %broadcast_in_dim3A_141 = vector.shape_cast %broadcast_in_dim3A_115 : vector<1024x1xf32> to vector<1024x1xf32>
    %broadcast_in_dim3A_142 = vector.broadcast %broadcast_in_dim3A_141 : vector<1024x1xf32> to vector<1024x128xf32>
    %broadcast_in_dim3A_143 = vector.broadcast %jit3A_140 : f32 to vector<1024x128xf32>
    %select_n3A_144 = arith.select %eq3A_139, %broadcast_in_dim3A_142, %broadcast_in_dim3A_143 : vector<1024x128xi1>, vector<1024x128xf32>
    %add3A_145 = arith.addf %select_n3A_136, %select_n3A_144 : vector<1024x128xf32>
    %eq3A_146 = arith.constant 2 : i32
    %eq3A_147 = vector.broadcast %eq3A_146 : i32 to vector<1024x128xi32>
    %eq3A_148 = arith.cmpi eq, %iota3A, %eq3A_147 : vector<1024x128xi32>
    %jit3A_149 = arith.constant 0.000000e+00 : f32
    %broadcast_in_dim3A_150 = vector.shape_cast %broadcast_in_dim3A_81 : vector<1024x1xf32> to vector<1024x1xf32>
    %broadcast_in_dim3A_151 = vector.broadcast %broadcast_in_dim3A_150 : vector<1024x1xf32> to vector<1024x128xf32>
    %broadcast_in_dim3A_152 = vector.broadcast %jit3A_149 : f32 to vector<1024x128xf32>
    %select_n3A_153 = arith.select %eq3A_148, %broadcast_in_dim3A_151, %broadcast_in_dim3A_152 : vector<1024x128xi1>, vector<1024x128xf32>
    %add3A_154 = arith.addf %add3A_145, %select_n3A_153 : vector<1024x128xf32>
    %eq3A_155 = arith.constant 3 : i32
    %eq3A_156 = vector.broadcast %eq3A_155 : i32 to vector<1024x128xi32>
    %eq3A_157 = arith.cmpi eq, %iota3A, %eq3A_156 : vector<1024x128xi32>
    %jit3A_158 = arith.constant 0.000000e+00 : f32
    %broadcast_in_dim3A_159 = vector.shape_cast %broadcast_in_dim3A_87 : vector<1024x1xf32> to vector<1024x1xf32>
    %broadcast_in_dim3A_160 = vector.broadcast %broadcast_in_dim3A_159 : vector<1024x1xf32> to vector<1024x128xf32>
    %broadcast_in_dim3A_161 = vector.broadcast %jit3A_158 : f32 to vector<1024x128xf32>
    %select_n3A_162 = arith.select %eq3A_157, %broadcast_in_dim3A_160, %broadcast_in_dim3A_161 : vector<1024x128xi1>, vector<1024x128xf32>
    %add3A_163 = arith.addf %add3A_154, %select_n3A_162 : vector<1024x128xf32>
    %eq3A_164 = arith.constant 4 : i32
    %eq3A_165 = vector.broadcast %eq3A_164 : i32 to vector<1024x128xi32>
    %eq3A_166 = arith.cmpi eq, %iota3A, %eq3A_165 : vector<1024x128xi32>
    %jit3A_167 = arith.constant 0.000000e+00 : f32
    %broadcast_in_dim3A_168 = vector.shape_cast %broadcast_in_dim3A_97 : vector<1024x1xf32> to vector<1024x1xf32>
    %broadcast_in_dim3A_169 = vector.broadcast %broadcast_in_dim3A_168 : vector<1024x1xf32> to vector<1024x128xf32>
    %broadcast_in_dim3A_170 = vector.broadcast %jit3A_167 : f32 to vector<1024x128xf32>
    %select_n3A_171 = arith.select %eq3A_166, %broadcast_in_dim3A_169, %broadcast_in_dim3A_170 : vector<1024x128xi1>, vector<1024x128xf32>
    %add3A_172 = arith.addf %add3A_163, %select_n3A_171 : vector<1024x128xf32>
    %eq3A_173 = arith.constant 5 : i32
    %eq3A_174 = vector.broadcast %eq3A_173 : i32 to vector<1024x128xi32>
    %eq3A_175 = arith.cmpi eq, %iota3A, %eq3A_174 : vector<1024x128xi32>
    %jit3A_176 = arith.constant 0.000000e+00 : f32
    %broadcast_in_dim3A_177 = vector.shape_cast %broadcast_in_dim3A_103 : vector<1024x1xf32> to vector<1024x1xf32>
    %broadcast_in_dim3A_178 = vector.broadcast %broadcast_in_dim3A_177 : vector<1024x1xf32> to vector<1024x128xf32>
    %broadcast_in_dim3A_179 = vector.broadcast %jit3A_176 : f32 to vector<1024x128xf32>
    %select_n3A_180 = arith.select %eq3A_175, %broadcast_in_dim3A_178, %broadcast_in_dim3A_179 : vector<1024x128xi1>, vector<1024x128xf32>
    %add3A_181 = arith.addf %add3A_172, %select_n3A_180 : vector<1024x128xf32>
    %swap3A_182 = arith.constant 0 : index
    %swap3A_183 = arith.constant 0 : index
    %swap3A_184 = vector.load %arg6[%swap3A_182, %swap3A_183] : memref<1024x128xf32, #tpu.memory_space<vmem>>, vector<1024x128xf32>
    tpu.vector_store %arg6[%swap3A_182, %swap3A_183], %add3A_181 {strides = array<i32>} : memref<1024x128xf32, #tpu.memory_space<vmem>>, vector<1024x128xf32>,
    return
  }
  func.func @transform_0(%arg0: i32) -> (i32, i32) {
    %c0_i32 = arith.constant 0 : i32
    %c0_i32_0 = arith.constant 0 : i32
    return %arg0, %c0_i32 : i32, i32
  }
  func.func @transform_1(%arg0: i32) -> (i32, i32) {
    %c0_i32 = arith.constant 0 : i32
    %c0_i32_0 = arith.constant 0 : i32
    %c0_i32_1 = arith.constant 0 : i32
    return %c0_i32, %c0_i32_0 : i32, i32
  }
  func.func @transform_2(%arg0: i32) -> (i32, i32) {
    %c0_i32 = arith.constant 0 : i32
    %c0_i32_0 = arith.constant 0 : i32
    %c0_i32_1 = arith.constant 0 : i32
    return %c0_i32, %c0_i32_0 : i32, i32
  }
  func.func @transform_3(%arg0: i32) -> (i32, i32) {
    %c0_i32 = arith.constant 0 : i32
    %c0_i32_0 = arith.constant 0 : i32
    %c0_i32_1 = arith.constant 0 : i32
    return %c0_i32, %c0_i32_0 : i32, i32
  }
  func.func @transform_4(%arg0: i32) -> (i32, i32) {
    %c0_i32 = arith.constant 0 : i32
    %c0_i32_0 = arith.constant 0 : i32
    return %arg0, %c0_i32 : i32, i32
  }
  func.func @transform_5(%arg0: i32) -> (i32, i32) {
    %c0_i32 = arith.constant 0 : i32
    %c0_i32_0 = arith.constant 0 : i32
    return %arg0, %c0_i32 : i32, i32
  }
  func.func @transform_6(%arg0: i32) -> (i32, i32) {
    %c0_i32 = arith.constant 0 : i32
    %c0_i32_0 = arith.constant 0 : i32
    %c0_i32_1 = arith.constant 0 : i32
    return %c0_i32, %c0_i32_0 : i32, i32
  }
}

module attributes {stable_mosaic.version = 14 : i64} {
  func.func @_stage_b(%arg0: i32, %arg1: memref<24xi32, #tpu.memory_space<smem>>, %arg2: memref<24xi32, #tpu.memory_space<smem>>, %arg3: memref<512x512xi32, #tpu.memory_space<vmem>>, %arg4: memref<1x1024x2048xbf16, #tpu.memory_space<vmem>>, %arg5: memref<1x1024x2048xbf16, #tpu.memory_space<vmem>>, %arg6: memref<1x2048x1024xbf16, #tpu.memory_space<vmem>>, %arg7: memref<512x512xi32, #tpu.memory_space<vmem>>) attributes {dimension_semantics = [#tpu.dimension_semantics<arbitrary>], iteration_bounds = array<i64: 24>, scalar_prefetch = 2 : i64, scratch_operands = 0 : i64, tpu.core_type = #tpu.core_type<tc>, window_params = [{transform_indices = @transform_0, window_bounds = array<i64: 512, 512>}, {transform_indices = @transform_1, window_bounds = array<i64: 1, 1024, 2048>}, {transform_indices = @transform_2, window_bounds = array<i64: 1, 1024, 2048>}, {transform_indices = @transform_3, window_bounds = array<i64: 1, 2048, 1024>}, {transform_indices = @transform_4, window_bounds = array<i64: 512, 512>}]} {
    %get3A = arith.index_cast %arg0 : i32 to index
    %get3A_0 = memref.load %arg2[%get3A] : memref<24xi32, #tpu.memory_space<smem>>
    %gt3A = arith.constant 0 : i32
    %gt3A_1 = arith.cmpi sgt, %get3A_0, %gt3A : i32
    %convert_element_type3A = arith.extui %gt3A_1 : i1 to i32
    %cond3A = arith.constant 0 : i32
    %cond3A_2 = arith.cmpi ne, %convert_element_type3A, %cond3A : i32
    scf.if %cond3A_2 {
      %get3A_3 = arith.constant 0 : index
      %get3A_4 = arith.constant 0 : index
      %get3A_5 = vector.load %arg3[%get3A_3, %get3A_4] : memref<512x512xi32, #tpu.memory_space<vmem>>, vector<512x512xi32>
      %shift_left3A = arith.constant 16 : i32
      %shift_left3A_6 = vector.broadcast %shift_left3A : i32 to vector<512x512xi32>
      %shift_left3A_7 = arith.shli %get3A_5, %shift_left3A_6 : vector<512x512xi32>
      %bitcast_convert_type3A = tpu.bitcast %shift_left3A_7 : vector<512x512xi32> -> vector<512x512xf32>
      %and3A = arith.constant -65536 : i32
      %and3A_8 = vector.broadcast %and3A : i32 to vector<512x512xi32>
      %and3A_9 = arith.andi %get3A_5, %and3A_8 : vector<512x512xi32>
      %bitcast_convert_type3A_10 = tpu.bitcast %and3A_9 : vector<512x512xi32> -> vector<512x512xf32>
      %concatenate3A = tpu.concatenate %bitcast_convert_type3A, %bitcast_convert_type3A_10 in 1 : vector<512x512xf32>, vector<512x512xf32> -> vector<512x1024xf32>
      %convert_element_type3A_11 = arith.truncf %concatenate3A : vector<512x1024xf32> to vector<512x1024xbf16>
      %broadcast_in_dim3A = arith.constant 0.000000e+00 : f32
      %broadcast_in_dim3A_12 = vector.broadcast %broadcast_in_dim3A : f32 to vector<512x1024xf32>
      %get3A_13 = arith.constant 0 : index
      %get3A_14 = arith.constant 0 : index
      %get3A_15 = arith.constant 0 : index
      %get3A_16 = vector.load %arg4[%get3A_13, %get3A_14, %get3A_15] : memref<1x1024x2048xbf16, #tpu.memory_space<vmem>>, vector<1x1024x512xbf16>
      %get3A_17 = vector.shape_cast %get3A_16 : vector<1x1024x512xbf16> to vector<1024x512xbf16>
      %dot_general3A = arith.constant dense<0.000000e+00> : vector<512x512xf32>
      %dot_general3A_18 = tpu.matmul %convert_element_type3A_11, %get3A_17, %dot_general3A {dimension_numbers = #tpu.dot_dimension_numbers<[1], [0], [0], [1], [0, 0, 1, 1], [], []>, transpose_lhs_hint = false} : vector<512x1024xbf16>, vector<1024x512xbf16>, vector<512x512xf32> -> vector<512x512xf32>
      %get3A_19 = arith.constant 0 : index
      %get3A_20 = arith.constant 0 : index
      %get3A_21 = arith.constant 0 : index
      %get3A_22 = vector.load %arg5[%get3A_19, %get3A_20, %get3A_21] : memref<1x1024x2048xbf16, #tpu.memory_space<vmem>>, vector<1x1024x512xbf16>
      %get3A_23 = vector.shape_cast %get3A_22 : vector<1x1024x512xbf16> to vector<1024x512xbf16>
      %dot_general3A_24 = arith.constant dense<0.000000e+00> : vector<512x512xf32>
      %dot_general3A_25 = tpu.matmul %convert_element_type3A_11, %get3A_23, %dot_general3A_24 {dimension_numbers = #tpu.dot_dimension_numbers<[1], [0], [0], [1], [0, 0, 1, 1], [], []>, transpose_lhs_hint = false} : vector<512x1024xbf16>, vector<1024x512xbf16>, vector<512x512xf32> -> vector<512x512xf32>
      %logistic3A = arith.negf %dot_general3A_18 : vector<512x512xf32>
      %logistic3A_26 = math.exp %logistic3A : vector<512x512xf32>
      %logistic3A_27 = arith.constant 1.000000e+00 : f32
      %logistic3A_28 = vector.broadcast %logistic3A_27 : f32 to vector<512x512xf32>
      %logistic3A_29 = arith.addf %logistic3A_28, %logistic3A_26 : vector<512x512xf32>
      %logistic3A_30 = arith.divf %logistic3A_28, %logistic3A_29 : vector<512x512xf32>
      %mul3A = arith.mulf %dot_general3A_18, %logistic3A_30 : vector<512x512xf32>
      %mul3A_31 = arith.mulf %mul3A, %dot_general3A_25 : vector<512x512xf32>
      %convert_element_type3A_32 = arith.truncf %mul3A_31 : vector<512x512xf32> to vector<512x512xbf16>
      %get3A_33 = arith.constant 0 : index
      %get3A_34 = arith.constant 0 : index
      %get3A_35 = arith.constant 0 : index
      %get3A_36 = vector.load %arg6[%get3A_33, %get3A_34, %get3A_35] : memref<1x2048x1024xbf16, #tpu.memory_space<vmem>>, vector<1x512x1024xbf16>
      %get3A_37 = vector.shape_cast %get3A_36 : vector<1x512x1024xbf16> to vector<512x1024xbf16>
      %dot_general3A_38 = arith.constant dense<0.000000e+00> : vector<512x1024xf32>
      %dot_general3A_39 = tpu.matmul %convert_element_type3A_32, %get3A_37, %dot_general3A_38 {dimension_numbers = #tpu.dot_dimension_numbers<[1], [0], [0], [1], [0, 0, 1, 1], [], []>, transpose_lhs_hint = false} : vector<512x512xbf16>, vector<512x1024xbf16>, vector<512x1024xf32> -> vector<512x1024xf32>
      %add3A = arith.addf %broadcast_in_dim3A_12, %dot_general3A_39 : vector<512x1024xf32>
      %get3A_40 = arith.constant 0 : index
      %get3A_41 = arith.constant 0 : index
      %get3A_42 = arith.constant 512 : index
      %get3A_43 = vector.load %arg4[%get3A_40, %get3A_41, %get3A_42] : memref<1x1024x2048xbf16, #tpu.memory_space<vmem>>, vector<1x1024x512xbf16>
      %get3A_44 = vector.shape_cast %get3A_43 : vector<1x1024x512xbf16> to vector<1024x512xbf16>
      %dot_general3A_45 = arith.constant dense<0.000000e+00> : vector<512x512xf32>
      %dot_general3A_46 = tpu.matmul %convert_element_type3A_11, %get3A_44, %dot_general3A_45 {dimension_numbers = #tpu.dot_dimension_numbers<[1], [0], [0], [1], [0, 0, 1, 1], [], []>, transpose_lhs_hint = false} : vector<512x1024xbf16>, vector<1024x512xbf16>, vector<512x512xf32> -> vector<512x512xf32>
      %get3A_47 = arith.constant 0 : index
      %get3A_48 = arith.constant 0 : index
      %get3A_49 = arith.constant 512 : index
      %get3A_50 = vector.load %arg5[%get3A_47, %get3A_48, %get3A_49] : memref<1x1024x2048xbf16, #tpu.memory_space<vmem>>, vector<1x1024x512xbf16>
      %get3A_51 = vector.shape_cast %get3A_50 : vector<1x1024x512xbf16> to vector<1024x512xbf16>
      %dot_general3A_52 = arith.constant dense<0.000000e+00> : vector<512x512xf32>
      %dot_general3A_53 = tpu.matmul %convert_element_type3A_11, %get3A_51, %dot_general3A_52 {dimension_numbers = #tpu.dot_dimension_numbers<[1], [0], [0], [1], [0, 0, 1, 1], [], []>, transpose_lhs_hint = false} : vector<512x1024xbf16>, vector<1024x512xbf16>, vector<512x512xf32> -> vector<512x512xf32>
      %logistic3A_54 = arith.negf %dot_general3A_46 : vector<512x512xf32>
      %logistic3A_55 = math.exp %logistic3A_54 : vector<512x512xf32>
      %logistic3A_56 = arith.constant 1.000000e+00 : f32
      %logistic3A_57 = vector.broadcast %logistic3A_56 : f32 to vector<512x512xf32>
      %logistic3A_58 = arith.addf %logistic3A_57, %logistic3A_55 : vector<512x512xf32>
      %logistic3A_59 = arith.divf %logistic3A_57, %logistic3A_58 : vector<512x512xf32>
      %mul3A_60 = arith.mulf %dot_general3A_46, %logistic3A_59 : vector<512x512xf32>
      %mul3A_61 = arith.mulf %mul3A_60, %dot_general3A_53 : vector<512x512xf32>
      %convert_element_type3A_62 = arith.truncf %mul3A_61 : vector<512x512xf32> to vector<512x512xbf16>
      %get3A_63 = arith.constant 0 : index
      %get3A_64 = arith.constant 512 : index
      %get3A_65 = arith.constant 0 : index
      %get3A_66 = vector.load %arg6[%get3A_63, %get3A_64, %get3A_65] : memref<1x2048x1024xbf16, #tpu.memory_space<vmem>>, vector<1x512x1024xbf16>
      %get3A_67 = vector.shape_cast %get3A_66 : vector<1x512x1024xbf16> to vector<512x1024xbf16>
      %dot_general3A_68 = arith.constant dense<0.000000e+00> : vector<512x1024xf32>
      %dot_general3A_69 = tpu.matmul %convert_element_type3A_62, %get3A_67, %dot_general3A_68 {dimension_numbers = #tpu.dot_dimension_numbers<[1], [0], [0], [1], [0, 0, 1, 1], [], []>, transpose_lhs_hint = false} : vector<512x512xbf16>, vector<512x1024xbf16>, vector<512x1024xf32> -> vector<512x1024xf32>
      %add3A_70 = arith.addf %add3A, %dot_general3A_69 : vector<512x1024xf32>
      %get3A_71 = arith.constant 0 : index
      %get3A_72 = arith.constant 0 : index
      %get3A_73 = arith.constant 1024 : index
      %get3A_74 = vector.load %arg4[%get3A_71, %get3A_72, %get3A_73] : memref<1x1024x2048xbf16, #tpu.memory_space<vmem>>, vector<1x1024x512xbf16>
      %get3A_75 = vector.shape_cast %get3A_74 : vector<1x1024x512xbf16> to vector<1024x512xbf16>
      %dot_general3A_76 = arith.constant dense<0.000000e+00> : vector<512x512xf32>
      %dot_general3A_77 = tpu.matmul %convert_element_type3A_11, %get3A_75, %dot_general3A_76 {dimension_numbers = #tpu.dot_dimension_numbers<[1], [0], [0], [1], [0, 0, 1, 1], [], []>, transpose_lhs_hint = false} : vector<512x1024xbf16>, vector<1024x512xbf16>, vector<512x512xf32> -> vector<512x512xf32>
      %get3A_78 = arith.constant 0 : index
      %get3A_79 = arith.constant 0 : index
      %get3A_80 = arith.constant 1024 : index
      %get3A_81 = vector.load %arg5[%get3A_78, %get3A_79, %get3A_80] : memref<1x1024x2048xbf16, #tpu.memory_space<vmem>>, vector<1x1024x512xbf16>
      %get3A_82 = vector.shape_cast %get3A_81 : vector<1x1024x512xbf16> to vector<1024x512xbf16>
      %dot_general3A_83 = arith.constant dense<0.000000e+00> : vector<512x512xf32>
      %dot_general3A_84 = tpu.matmul %convert_element_type3A_11, %get3A_82, %dot_general3A_83 {dimension_numbers = #tpu.dot_dimension_numbers<[1], [0], [0], [1], [0, 0, 1, 1], [], []>, transpose_lhs_hint = false} : vector<512x1024xbf16>, vector<1024x512xbf16>, vector<512x512xf32> -> vector<512x512xf32>
      %logistic3A_85 = arith.negf %dot_general3A_77 : vector<512x512xf32>
      %logistic3A_86 = math.exp %logistic3A_85 : vector<512x512xf32>
      %logistic3A_87 = arith.constant 1.000000e+00 : f32
      %logistic3A_88 = vector.broadcast %logistic3A_87 : f32 to vector<512x512xf32>
      %logistic3A_89 = arith.addf %logistic3A_88, %logistic3A_86 : vector<512x512xf32>
      %logistic3A_90 = arith.divf %logistic3A_88, %logistic3A_89 : vector<512x512xf32>
      %mul3A_91 = arith.mulf %dot_general3A_77, %logistic3A_90 : vector<512x512xf32>
      %mul3A_92 = arith.mulf %mul3A_91, %dot_general3A_84 : vector<512x512xf32>
      %convert_element_type3A_93 = arith.truncf %mul3A_92 : vector<512x512xf32> to vector<512x512xbf16>
      %get3A_94 = arith.constant 0 : index
      %get3A_95 = arith.constant 1024 : index
      %get3A_96 = arith.constant 0 : index
      %get3A_97 = vector.load %arg6[%get3A_94, %get3A_95, %get3A_96] : memref<1x2048x1024xbf16, #tpu.memory_space<vmem>>, vector<1x512x1024xbf16>
      %get3A_98 = vector.shape_cast %get3A_97 : vector<1x512x1024xbf16> to vector<512x1024xbf16>
      %dot_general3A_99 = arith.constant dense<0.000000e+00> : vector<512x1024xf32>
      %dot_general3A_100 = tpu.matmul %convert_element_type3A_93, %get3A_98, %dot_general3A_99 {dimension_numbers = #tpu.dot_dimension_numbers<[1], [0], [0], [1], [0, 0, 1, 1], [], []>, transpose_lhs_hint = false} : vector<512x512xbf16>, vector<512x1024xbf16>, vector<512x1024xf32> -> vector<512x1024xf32>
      %add3A_101 = arith.addf %add3A_70, %dot_general3A_100 : vector<512x1024xf32>
      %get3A_102 = arith.constant 0 : index
      %get3A_103 = arith.constant 0 : index
      %get3A_104 = arith.constant 1536 : index
      %get3A_105 = vector.load %arg4[%get3A_102, %get3A_103, %get3A_104] : memref<1x1024x2048xbf16, #tpu.memory_space<vmem>>, vector<1x1024x512xbf16>
      %get3A_106 = vector.shape_cast %get3A_105 : vector<1x1024x512xbf16> to vector<1024x512xbf16>
      %dot_general3A_107 = arith.constant dense<0.000000e+00> : vector<512x512xf32>
      %dot_general3A_108 = tpu.matmul %convert_element_type3A_11, %get3A_106, %dot_general3A_107 {dimension_numbers = #tpu.dot_dimension_numbers<[1], [0], [0], [1], [0, 0, 1, 1], [], []>, transpose_lhs_hint = false} : vector<512x1024xbf16>, vector<1024x512xbf16>, vector<512x512xf32> -> vector<512x512xf32>
      %get3A_109 = arith.constant 0 : index
      %get3A_110 = arith.constant 0 : index
      %get3A_111 = arith.constant 1536 : index
      %get3A_112 = vector.load %arg5[%get3A_109, %get3A_110, %get3A_111] : memref<1x1024x2048xbf16, #tpu.memory_space<vmem>>, vector<1x1024x512xbf16>
      %get3A_113 = vector.shape_cast %get3A_112 : vector<1x1024x512xbf16> to vector<1024x512xbf16>
      %dot_general3A_114 = arith.constant dense<0.000000e+00> : vector<512x512xf32>
      %dot_general3A_115 = tpu.matmul %convert_element_type3A_11, %get3A_113, %dot_general3A_114 {dimension_numbers = #tpu.dot_dimension_numbers<[1], [0], [0], [1], [0, 0, 1, 1], [], []>, transpose_lhs_hint = false} : vector<512x1024xbf16>, vector<1024x512xbf16>, vector<512x512xf32> -> vector<512x512xf32>
      %logistic3A_116 = arith.negf %dot_general3A_108 : vector<512x512xf32>
      %logistic3A_117 = math.exp %logistic3A_116 : vector<512x512xf32>
      %logistic3A_118 = arith.constant 1.000000e+00 : f32
      %logistic3A_119 = vector.broadcast %logistic3A_118 : f32 to vector<512x512xf32>
      %logistic3A_120 = arith.addf %logistic3A_119, %logistic3A_117 : vector<512x512xf32>
      %logistic3A_121 = arith.divf %logistic3A_119, %logistic3A_120 : vector<512x512xf32>
      %mul3A_122 = arith.mulf %dot_general3A_108, %logistic3A_121 : vector<512x512xf32>
      %mul3A_123 = arith.mulf %mul3A_122, %dot_general3A_115 : vector<512x512xf32>
      %convert_element_type3A_124 = arith.truncf %mul3A_123 : vector<512x512xf32> to vector<512x512xbf16>
      %get3A_125 = arith.constant 0 : index
      %get3A_126 = arith.constant 1536 : index
      %get3A_127 = arith.constant 0 : index
      %get3A_128 = vector.load %arg6[%get3A_125, %get3A_126, %get3A_127] : memref<1x2048x1024xbf16, #tpu.memory_space<vmem>>, vector<1x512x1024xbf16>
      %get3A_129 = vector.shape_cast %get3A_128 : vector<1x512x1024xbf16> to vector<512x1024xbf16>
      %dot_general3A_130 = arith.constant dense<0.000000e+00> : vector<512x1024xf32>
      %dot_general3A_131 = tpu.matmul %convert_element_type3A_124, %get3A_129, %dot_general3A_130 {dimension_numbers = #tpu.dot_dimension_numbers<[1], [0], [0], [1], [0, 0, 1, 1], [], []>, transpose_lhs_hint = false} : vector<512x512xbf16>, vector<512x1024xbf16>, vector<512x1024xf32> -> vector<512x1024xf32>
      %add3A_132 = arith.addf %add3A_101, %dot_general3A_131 : vector<512x1024xf32>
      %bitcast_convert_type3A_133 = tpu.bitcast %add3A_132 : vector<512x1024xf32> -> vector<512x1024xi32>
      %add3A_134 = arith.constant 32768 : i32
      %add3A_135 = vector.broadcast %add3A_134 : i32 to vector<512x1024xi32>
      %add3A_136 = arith.addi %bitcast_convert_type3A_133, %add3A_135 : vector<512x1024xi32>
      %slice3A = vector.extract_strided_slice %add3A_136 {offsets = [0, 0], sizes = [512, 512], strides = [1, 1]} : vector<512x1024xi32> to vector<512x512xi32>
      %shift_right_logical3A = arith.constant 16 : i32
      %shift_right_logical3A_137 = vector.broadcast %shift_right_logical3A : i32 to vector<512x512xi32>
      %shift_right_logical3A_138 = arith.shrui %slice3A, %shift_right_logical3A_137 : vector<512x512xi32>
      %slice3A_139 = vector.extract_strided_slice %add3A_136 {offsets = [0, 512], sizes = [512, 512], strides = [1, 1]} : vector<512x1024xi32> to vector<512x512xi32>
      %and3A_140 = arith.constant -65536 : i32
      %and3A_141 = vector.broadcast %and3A_140 : i32 to vector<512x512xi32>
      %and3A_142 = arith.andi %slice3A_139, %and3A_141 : vector<512x512xi32>
      %or3A = arith.ori %and3A_142, %shift_right_logical3A_138 : vector<512x512xi32>
      %swap3A = arith.constant 0 : index
      %swap3A_143 = arith.constant 0 : index
      %swap3A_144 = vector.load %arg7[%swap3A, %swap3A_143] : memref<512x512xi32, #tpu.memory_space<vmem>>, vector<512x512xi32>
      tpu.vector_store %arg7[%swap3A, %swap3A_143], %or3A {strides = array<i32>} : memref<512x512xi32, #tpu.memory_space<vmem>>, vector<512x512xi32>,
    } else {
    }
    return
  }
  func.func @transform_0(%arg0: i32, %arg1: memref<24xi32, #tpu.memory_space<smem>>, %arg2: memref<24xi32, #tpu.memory_space<smem>>) -> (i32, i32) {
    %c0_i32 = arith.constant 0 : i32
    %c0_i32_0 = arith.constant 0 : i32
    return %arg0, %c0_i32 : i32, i32
  }
  func.func @transform_1(%arg0: i32, %arg1: memref<24xi32, #tpu.memory_space<smem>>, %arg2: memref<24xi32, #tpu.memory_space<smem>>) -> (i32, i32, i32) {
    %get3A = arith.index_cast %arg0 : i32 to index
    %get3A_0 = memref.load %arg1[%get3A] : memref<24xi32, #tpu.memory_space<smem>>
    %c0_i32 = arith.constant 0 : i32
    %c0_i32_1 = arith.constant 0 : i32
    %c0_i32_2 = arith.constant 0 : i32
    return %get3A_0, %c0_i32, %c0_i32_1 : i32, i32, i32
  }
  func.func @transform_2(%arg0: i32, %arg1: memref<24xi32, #tpu.memory_space<smem>>, %arg2: memref<24xi32, #tpu.memory_space<smem>>) -> (i32, i32, i32) {
    %get3A = arith.index_cast %arg0 : i32 to index
    %get3A_0 = memref.load %arg1[%get3A] : memref<24xi32, #tpu.memory_space<smem>>
    %c0_i32 = arith.constant 0 : i32
    %c0_i32_1 = arith.constant 0 : i32
    %c0_i32_2 = arith.constant 0 : i32
    return %get3A_0, %c0_i32, %c0_i32_1 : i32, i32, i32
  }
  func.func @transform_3(%arg0: i32, %arg1: memref<24xi32, #tpu.memory_space<smem>>, %arg2: memref<24xi32, #tpu.memory_space<smem>>) -> (i32, i32, i32) {
    %get3A = arith.index_cast %arg0 : i32 to index
    %get3A_0 = memref.load %arg1[%get3A] : memref<24xi32, #tpu.memory_space<smem>>
    %c0_i32 = arith.constant 0 : i32
    %c0_i32_1 = arith.constant 0 : i32
    %c0_i32_2 = arith.constant 0 : i32
    return %get3A_0, %c0_i32, %c0_i32_1 : i32, i32, i32
  }
  func.func @transform_4(%arg0: i32, %arg1: memref<24xi32, #tpu.memory_space<smem>>, %arg2: memref<24xi32, #tpu.memory_space<smem>>) -> (i32, i32) {
    %c0_i32 = arith.constant 0 : i32
    %c0_i32_0 = arith.constant 0 : i32
    return %arg0, %c0_i32 : i32, i32
  }
}

module attributes {stable_mosaic.version = 14 : i64} {
  func.func @_stage_c(%arg0: i32, %arg1: memref<1024x1024xf32, #tpu.memory_space<vmem>>, %arg2: memref<1024x512xi32, #tpu.memory_space<vmem>>, %arg3: memref<1024x512xi32, #tpu.memory_space<vmem>>, %arg4: memref<1024x128xf32, #tpu.memory_space<vmem>>, %arg5: memref<1024x1024xf32, #tpu.memory_space<vmem>>) attributes {dimension_semantics = [#tpu.dimension_semantics<arbitrary>], iteration_bounds = array<i64: 4>, scalar_prefetch = 0 : i64, scratch_operands = 0 : i64, tpu.core_type = #tpu.core_type<tc>, window_params = [{transform_indices = @transform_0, window_bounds = array<i64: 1024, 1024>}, {transform_indices = @transform_1, window_bounds = array<i64: 1024, 512>}, {transform_indices = @transform_2, window_bounds = array<i64: 1024, 512>}, {transform_indices = @transform_3, window_bounds = array<i64: 1024, 128>}, {transform_indices = @transform_4, window_bounds = array<i64: 1024, 1024>}]} {
    %get3A = arith.constant 0 : index
    %get3A_0 = arith.constant 0 : index
    %get3A_1 = vector.load %arg4[%get3A, %get3A_0] : memref<1024x128xf32, #tpu.memory_space<vmem>>, vector<1024x128xf32>
    %iota3A = tpu.iota {dimensions = array<i32: 1>} : vector<1024x128xi32>
    %eq3A = arith.constant 4 : i32
    %eq3A_2 = vector.broadcast %eq3A : i32 to vector<1024x128xi32>
    %eq3A_3 = arith.cmpi eq, %iota3A, %eq3A_2 : vector<1024x128xi32>
    %jit3A = arith.constant 0.000000e+00 : f32
    %broadcast_in_dim3A = vector.broadcast %jit3A : f32 to vector<1024x128xf32>
    %select_n3A = arith.select %eq3A_3, %get3A_1, %broadcast_in_dim3A : vector<1024x128xi1>, vector<1024x128xf32>
    %reduce_sum3A = arith.constant dense<0.000000e+00> : vector<1024xf32>
    %reduce_sum3A_4 = vector.multi_reduction <add>, %select_n3A, %reduce_sum3A [1] : vector<1024x128xf32> to vector<1024xf32>
    %broadcast_in_dim3A_5 = vector.shape_cast %reduce_sum3A_4 : vector<1024xf32> to vector<1024x1xf32>
    %eq3A_6 = arith.constant 5 : i32
    %eq3A_7 = vector.broadcast %eq3A_6 : i32 to vector<1024x128xi32>
    %eq3A_8 = arith.cmpi eq, %iota3A, %eq3A_7 : vector<1024x128xi32>
    %jit3A_9 = arith.constant 0.000000e+00 : f32
    %broadcast_in_dim3A_10 = vector.broadcast %jit3A_9 : f32 to vector<1024x128xf32>
    %select_n3A_11 = arith.select %eq3A_8, %get3A_1, %broadcast_in_dim3A_10 : vector<1024x128xi1>, vector<1024x128xf32>
    %reduce_sum3A_12 = arith.constant dense<0.000000e+00> : vector<1024xf32>
    %reduce_sum3A_13 = vector.multi_reduction <add>, %select_n3A_11, %reduce_sum3A_12 [1] : vector<1024x128xf32> to vector<1024xf32>
    %broadcast_in_dim3A_14 = vector.shape_cast %reduce_sum3A_13 : vector<1024xf32> to vector<1024x1xf32>
    %get3A_15 = arith.constant 0 : index
    %get3A_16 = arith.constant 0 : index
    %get3A_17 = vector.load %arg2[%get3A_15, %get3A_16] : memref<1024x512xi32, #tpu.memory_space<vmem>>, vector<1024x512xi32>
    %shift_left3A = arith.constant 16 : i32
    %shift_left3A_18 = vector.broadcast %shift_left3A : i32 to vector<1024x512xi32>
    %shift_left3A_19 = arith.shli %get3A_17, %shift_left3A_18 : vector<1024x512xi32>
    %bitcast_convert_type3A = tpu.bitcast %shift_left3A_19 : vector<1024x512xi32> -> vector<1024x512xf32>
    %and3A = arith.constant -65536 : i32
    %and3A_20 = vector.broadcast %and3A : i32 to vector<1024x512xi32>
    %and3A_21 = arith.andi %get3A_17, %and3A_20 : vector<1024x512xi32>
    %bitcast_convert_type3A_22 = tpu.bitcast %and3A_21 : vector<1024x512xi32> -> vector<1024x512xf32>
    %concatenate3A = tpu.concatenate %bitcast_convert_type3A, %bitcast_convert_type3A_22 in 1 : vector<1024x512xf32>, vector<1024x512xf32> -> vector<1024x1024xf32>
    %get3A_23 = arith.constant 0 : index
    %get3A_24 = arith.constant 0 : index
    %get3A_25 = vector.load %arg3[%get3A_23, %get3A_24] : memref<1024x512xi32, #tpu.memory_space<vmem>>, vector<1024x512xi32>
    %shift_left3A_26 = arith.constant 16 : i32
    %shift_left3A_27 = vector.broadcast %shift_left3A_26 : i32 to vector<1024x512xi32>
    %shift_left3A_28 = arith.shli %get3A_25, %shift_left3A_27 : vector<1024x512xi32>
    %bitcast_convert_type3A_29 = tpu.bitcast %shift_left3A_28 : vector<1024x512xi32> -> vector<1024x512xf32>
    %and3A_30 = arith.constant -65536 : i32
    %and3A_31 = vector.broadcast %and3A_30 : i32 to vector<1024x512xi32>
    %and3A_32 = arith.andi %get3A_25, %and3A_31 : vector<1024x512xi32>
    %bitcast_convert_type3A_33 = tpu.bitcast %and3A_32 : vector<1024x512xi32> -> vector<1024x512xf32>
    %concatenate3A_34 = tpu.concatenate %bitcast_convert_type3A_29, %bitcast_convert_type3A_33 in 1 : vector<1024x512xf32>, vector<1024x512xf32> -> vector<1024x1024xf32>
    %get3A_35 = arith.constant 0 : index
    %get3A_36 = arith.constant 0 : index
    %get3A_37 = vector.load %arg1[%get3A_35, %get3A_36] : memref<1024x1024xf32, #tpu.memory_space<vmem>>, vector<1024x1024xf32>
    %mul3A = vector.broadcast %broadcast_in_dim3A_5 : vector<1024x1xf32> to vector<1024x1024xf32>
    %mul3A_38 = arith.mulf %mul3A, %concatenate3A : vector<1024x1024xf32>
    %add3A = arith.addf %get3A_37, %mul3A_38 : vector<1024x1024xf32>
    %mul3A_39 = vector.broadcast %broadcast_in_dim3A_14 : vector<1024x1xf32> to vector<1024x1024xf32>
    %mul3A_40 = arith.mulf %mul3A_39, %concatenate3A_34 : vector<1024x1024xf32>
    %add3A_41 = arith.addf %add3A, %mul3A_40 : vector<1024x1024xf32>
    %swap3A = arith.constant 0 : index
    %swap3A_42 = arith.constant 0 : index
    %swap3A_43 = vector.load %arg5[%swap3A, %swap3A_42] : memref<1024x1024xf32, #tpu.memory_space<vmem>>, vector<1024x1024xf32>
    tpu.vector_store %arg5[%swap3A, %swap3A_42], %add3A_41 {strides = array<i32>} : memref<1024x1024xf32, #tpu.memory_space<vmem>>, vector<1024x1024xf32>,
    return
  }
  func.func @transform_0(%arg0: i32) -> (i32, i32) {
    %c0_i32 = arith.constant 0 : i32
    %c0_i32_0 = arith.constant 0 : i32
    return %arg0, %c0_i32 : i32, i32
  }
  func.func @transform_1(%arg0: i32) -> (i32, i32) {
    %c0_i32 = arith.constant 0 : i32
    %c0_i32_0 = arith.constant 0 : i32
    return %arg0, %c0_i32 : i32, i32
  }
  func.func @transform_2(%arg0: i32) -> (i32, i32) {
    %c0_i32 = arith.constant 0 : i32
    %c0_i32_0 = arith.constant 0 : i32
    return %arg0, %c0_i32 : i32, i32
  }
  func.func @transform_3(%arg0: i32) -> (i32, i32) {
    %c0_i32 = arith.constant 0 : i32
    %c0_i32_0 = arith.constant 0 : i32
    return %arg0, %c0_i32 : i32, i32
  }
  func.func @transform_4(%arg0: i32) -> (i32, i32) {
    %c0_i32 = arith.constant 0 : i32
    %c0_i32_0 = arith.constant 0 : i32
    return %arg0, %c0_i32 : i32, i32
  }
}

</mosaic_0001>

<sc_bundles>
// kernel: kernel.11.cloned.1.call-start
scs
__scs_entry_jumppad:
0x0: {  	(pc) =	sbr.rel $0x88, $3  }
0x1: {  	(tag) =	ssettag $0x0;
	lr =	simm.s32 $0x1  }
0x2: {  	[smem:$0x3F9B] =	sst lr;
	_ =	strace $0xD0000000  }
0x3: {  	_ = 	snop  }
0x4: {  	_ = 	snop  }
0x5: {  	_ = 	snop  }
0x6: {  	_ = 	snop  }
0x7: {  	_ = 	snop  }
__scs_overlays_trampoline_lowered:
0x8: {  	[smem:$0x3FAA] =	sst s0  }
0x9: {  	[smem:$0x3FAB] =	sst s1  }
0xa: {  	[smem:$0x3FAC] =	sst s2  }
0xb: {  	[smem:$0x3FAD] =	sst s3  }
0xc: {  	[smem:$0x3FAE] =	sst s4  }
0xd: {  	[smem:$0x3FAF] =	sst s5  }
0xe: {  	[smem:$0x3FB0] =	sst s6  }
0xf: {  	[smem:$0x3FB1] =	sst s7  }
0x10: {  	[smem:$0x3FB2] =	sst s8  }
0x11: {  	[smem:$0x3FB3] =	sst s9;
	s0 =	simm.s32 @!p0 $0x0  }
0x12: {  	s1 =	sld [smem:$0x3F99];
	s0 =	simm.s32 @p0 $0x1  }
0x13: {  	[smem:$0x3FB4] =	sst s0;
	s0 =	simm.s32 @!p1 $0x0  }
0x14: {  	s2 =	sld [smem:$0x3F98];
	s0 =	simm.s32 @p1 $0x1  }
0x15: {  	[smem:$0x3FB5] =	sst s0;
	s0 =	simm.s32 @!p2 $0x0  }
0x16: {  	s3 =	sld [smem:$0x3FDB];
	s0 =	simm.s32 @p2 $0x1  }
0x17: {  	s4 =	simm.s32 $0x1BF5;
	[smem:$0x3FB7] =	sst s0  }
0x18: {  	s0 =	sld [smem:$0x3F9A];
	_ =	swait.ge [sflag:s4], $0x0  }
0x19: {  	s7 =	sld [smem:$0x3F9B]  }
0x1a: {  	s8 =	sadd.s32 $0xFFFFE003, lr  }
0x1b: {  	s9 =	sadd.s32 $0xFFFFFEF7, lr;
	s5 =	simm.s32 $0xFFFFFFFF;
	p2 =	slt.u32 s8, $0xFFFFF086  }
0x1c: {  	p1 =	slt.u32 s9, $0xF7A;
	s5 =	simm.s32 @!p2 $0x0  }
0x1d: {  	s5 =	simm.s32 @p1 $0x1;
	p0 =	seq.s32 s7, s2  }
0x1e: {  	s7 =	smul.u32 @!p0 $0xF7A, s2;
	p2 =	seq.s32 @!p0 s5, $0x0  }
0x1f: {  	s9 =	smul.u32 $0xF7A, s1;
	s8 =	simm.s32 @!p0 $0x1BF5;
	p2 =	por !p2, p0  }
0x20: {  	[sflag:s8] =	ssyncset.s32 @!p0 $0xFFFFF086;
	s6 =	sadd.s32 @!p0 s3, s7;
	s7 =	simm.s32 @!p0 $0x108  }
0x21: {  	s3 =	sadd.s32 s3, s9;
	s6 =	sadd.s32 @!p0 $0x88, s6;
	s7 =	simm.s32 @p2 $0x1082  }
0x22: {  	[simem:s7], [sflag:s8] =	dma.local @!p0 [hbm:s6], $0xF7A  }
0x23: {  	s9 =	sor.u32 $0xD0000000, s2;
	s6 =	simm.s32 $0x108;
	_ =	swait.ge @!p0 [sflag:s8], $0x0  }
0x24: {  	s3 =	sadd.s32 $0x88, s3;
	s6 =	simm.s32 @!p1 $0x1082;
	[sflag:s4] =	ssyncset.s32 $0xFFFFF086  }
0x25: {  	[simem:s6], [sflag:s4] =	dma.local [hbm:s3], $0xF7A  }
0x26: {  	[smem:$0x3F9B] =	sst s1;
	(tag) =	ssettag s2;
	_ =	strace s9  }
0x27: {  	s1 =	sld [smem:$0x3FAB]  }
0x28: {  	s2 =	sld [smem:$0x3FAC]  }
0x29: {  	s4 =	sld [smem:$0x3FAE]  }
0x2a: {  	p0 =	seq.s32 s5, $0x0;
	s5 =	sld [smem:$0x3FAF]  }
0x2b: {  	s6 =	sld [smem:$0x3FB0]  }
0x2c: {  	s7 =	sld [smem:$0x3FB1]  }
0x2d: {  	s3 =	simm.s32 $0x108;
	s8 =	sld [smem:$0x3FB2]  }
0x2e: {  	s3 =	simm.s32 @!p0 $0x1082;
	s9 =	sld [smem:$0x3FB3]  }
0x2f: {  	lr =	sadd.s32 s0, s3;
	s0 =	sld [smem:$0x3FAA]  }
0x30: {  	s3 =	sld [smem:$0x3FAD]  }
0x31: {  	[smem:$0x3FB6] =	sst s10  }
0x32: {  	s10 =	sld [smem:$0x3FB4];
	_ =	sdelay $0x3  }
0x33: {  	p0 =	seq.s32 s10, $0x1;
	s10 =	sld [smem:$0x3FB6];
	_ =	sdelay $0x3  }
0x34: {  	[smem:$0x3FB6] =	sst s10  }
0x35: {  	s10 =	sld [smem:$0x3FB5];
	_ =	sdelay $0x3  }
0x36: {  	p1 =	seq.s32 s10, $0x1;
	s10 =	sld [smem:$0x3FB6];
	_ =	sdelay $0x3  }
0x37: {  	[smem:$0x3FB6] =	sst s10  }
0x38: {  	s10 =	sld [smem:$0x3FB7]  }
0x39: {  	_ = 	snop;
	(pc) =	sbr.ind lr, $3  }
0x3a: {  	_ = 	snop  }
0x3b: {  	_ = 	snop  }
0x3c: {  	p2 =	seq.s32 s10, $0x1;
	s10 =	sld [smem:$0x3FB6]  }
0x3d: {  	_ =	shalt  }
0x3e: {  	_ =	shalt  }
0x3f: {  	_ =	shalt  }
0x40: {  	_ =	shalt  }
0x41: {  	_ =	shalt  }
0x42: {  	_ =	shalt  }
0x43: {  	_ =	shalt  }
0x44: {  	_ =	shalt  }
0x45: {  	_ =	shalt  }
0x46: {  	_ =	shalt  }
0x47: {  	_ =	shalt  }
0x48: {  	_ =	shalt  }
0x49: {  	_ =	shalt  }
0x4a: {  	_ =	shalt  }
0x4b: {  	_ =	shalt  }
0x4c: {  	_ =	shalt  }
0x4d: {  	_ =	shalt  }
0x4e: {  	_ =	shalt  }
0x4f: {  	_ =	shalt  }
0x50: {  	_ =	shalt  }
0x51: {  	_ =	shalt  }
0x52: {  	_ =	shalt  }
0x53: {  	_ =	shalt  }
0x54: {  	_ =	shalt  }
0x55: {  	_ =	shalt  }
0x56: {  	_ =	shalt  }
0x57: {  	_ =	shalt  }
0x58: {  	_ =	shalt  }
0x59: {  	_ =	shalt  }
0x5a: {  	_ =	shalt  }
0x5b: {  	_ =	shalt  }
0x5c: {  	_ =	shalt  }
0x5d: {  	_ =	shalt  }
0x5e: {  	_ =	shalt  }
0x5f: {  	_ =	shalt  }
0x60: {  	_ =	shalt  }
0x61: {  	_ =	shalt  }
0x62: {  	_ =	shalt  }
0x63: {  	_ =	shalt  }
0x64: {  	_ =	shalt  }
0x65: {  	_ =	shalt  }
0x66: {  	_ =	shalt  }
0x67: {  	_ =	shalt  }
0x68: {  	_ =	shalt  }
0x69: {  	_ =	shalt  }
0x6a: {  	_ =	shalt  }
0x6b: {  	_ =	shalt  }
0x6c: {  	_ =	shalt  }
0x6d: {  	_ =	shalt  }
0x6e: {  	_ =	shalt  }
0x6f: {  	_ =	shalt  }
0x70: {  	_ =	shalt  }
0x71: {  	_ =	shalt  }
0x72: {  	_ =	shalt  }
0x73: {  	_ =	shalt  }
0x74: {  	_ =	shalt  }
0x75: {  	_ =	shalt  }
0x76: {  	_ =	shalt  }
0x77: {  	_ =	shalt  }
0x78: {  	_ =	shalt  }
0x79: {  	_ =	shalt  }
0x7a: {  	_ =	shalt  }
0x7b: {  	_ =	shalt  }
0x7c: {  	_ =	shalt  }
0x7d: {  	_ =	shalt  }
0x7e: {  	_ =	shalt  }
0x7f: {  	_ =	shalt  }
0x80: {  	_ =	shalt  }
0x81: {  	_ =	shalt  }
0x82: {  	_ =	shalt  }
0x83: {  	_ =	shalt  }
0x84: {  	_ =	shalt  }
0x85: {  	_ =	shalt  }
0x86: {  	_ =	shalt  }
0x87: {  	_ =	shalt  }
.Lfunc_end0:
.L_simem_size_0:
called_computation.1_lowered:
.L_overlay_start_0:
0x88: {  	s2 =	sld [smem:$0x3FD9]  }
0x89: {  	s3 =	sld [smem:$0x3FFE];
	_ =	sdelay $0x1  }
0x8a: {  	s1 =	srdreg.scid  }
0x8b: {  	s0 =	sand.u32 $0x1, s1  }
0x8c: {  	s17 =	sshll.u32 s0, $0xA;
	s2 =	sadd.s32 s3, s2  }
0x8d: {  	s2 =	sadd.s32 s2, s17  }
0x8e: {  	[smem:$0x3FC2] =	sst s2  }
0x8f: {  	_ = 	snop  }
0x90: {  	s2 =	sld [smem:$0x3FD0];
	(tm) =	ssettm $0x1  }
0x91: {  	s18 =	sld [smem:$0x3FFB];
	_ =	sdelay $0x3  }
0x92: {  	_ =	strace s18  }
0x93: {  	s3 =	sld [smem:$0x3FFC];
	_ =	sdelay $0x3  }
0x94: {  	_ =	strace s3  }
0x95: {  	s3 =	sld [smem:$0x3FFD];
	_ =	sdelay $0x3  }
0x96: {  	_ =	strace s3  }
0x97: {  	_ =	strace $0x8FFFFFFF  }
0x98: {  	s19 =	sld [smem:$0x3FDB];
	_ =	sdelay $0x1  }
0x99: {  	s4 =	simm.s32 $_scs_section_size  }
0x9a: {  	s5 =	simm.s32 $_size__tile_overlayer_lowered;
	s6 =	simm.s32 $_tile_overlayer_lowered  }
0x9b: {  	s22 =	simm.s32 $0x1BFF;
	s21 =	sshll.u32 s6, $0x1;
	s3 =	sadd.s32 s4, s19  }
0x9c: {  	s7 =	simm.s32 $0x0;
	s20 =	sshll.u32 s5, $0x1;
	s5 =	sadd.s32 s21, s3  }
0x9d: {  	[timem:s7], [sflag:s22] =	dma.local [hbm:s5], s20  }
0x9e: {  	_ =	swait.ge [sflag:s22], s20  }
0x9f: {  	s4 =	ssub.s32 $0x0, s20;
	[sflag:s22] =	ssyncset.done $0x0  }
0xa0: {  	[sflag:s22] =	ssyncadd.s32 s4;
	_ =	sdelay $0x1  }
0xa1: {  	s23 =	simm.s32 $0x1B8B  }
0xa2: {  	_ =	swait.ge [sflag:s23], $0x1  }
0xa3: {  	[sflag:s23] =	ssyncset.done $0x0  }
0xa4: {  	s25 =	simm.s32 $0x1B8E;
	s24 =	sld [smem:$0x3FFE];
	[sflag:s23] =	ssyncadd.s32 $0xFFFFFFFF  }
0xa5: {  	s26 =	simm.s32 $execute0_lowered;
	[smem:$0x3FD2] =	sst s25  }
0xa6: {  	s5 =	sshll.u32 s26, $0x1;
	_ =	strace $0x80000049;
	[dreg:$0x1] =	wrdreg $0xFFFFFFFF  }
0xa7: {  	s28 =	simm.s32 $_size_execute0_lowered;
	s3 =	sadd.s32 s3, s5;
	[dreg:$0x0] =	wrdreg $0x0  }
0xa8: {  	s5 =	sshll.u32 s28, $0x1;
	[dreg:$0x2] =	wrdreg s3  }
0xa9: {  	[dreg:$0x3] =	wrdreg s5  }
0xaa: {  	[dreg:$0x4] =	wrdreg $0xC0  }
0xab: {  	_ =	task [dreg:s7], $0x5FFFF  }
0xac: {  	[dreg:$0x1] =	wrdreg $0xFFFFFFFF  }
0xad: {  	[dreg:$0x0] =	wrdreg $0x60  }
0xae: {  	[dreg:$0x2] =	wrdreg s24  }
0xaf: {  	[dreg:$0x3] =	wrdreg s2  }
0xb0: {  	[dreg:$0x4] =	wrdreg $0x9  }
0xb1: {  	_ =	task.clear_ibuf [dreg:s7], $0x5FFFF;
	_ =	strace $0x90000049  }
0xb2: {  	s29 =	simm.s32 $0x9;
	_ =	strace $0x8000004B  }
0xb3: {  	_ =	swait.ge [sflag:s29], $0x1  }
0xb4: {  	[sflag:s29] =	ssyncadd.s32 $0xFFFFFFFF  }
0xb5: {  	_ =	strace $0x9000004B  }
0xb6: {  	_ =	sfence  }
0xb7: {  	s30 =	sld [smem:$0x0];
	_ =	sdelay $0x2  }
0xb8: {  	s31 =	sshll.u32 s1, $0xD;
	s1 =	sshrl.u32 s1, $0x2  }
0xb9: {  	s3 =	sand.u32 $0x4000, s31;
	s1 =	sadd.s32 s1, s30  }
0xba: {  	s0 =	sor.u32 s3, s0;
	s1 =	sshll.u32 s1, $0x11  }
0xbb: {  	s0 =	sor.u32 s1, s0  }
0xbc: {  	s0 =	sadd.s32 $0x8F2B, s0  }
0xbd: {  	[sflag:s0] =	ssyncadd.remote.s32 $0x1  }
0xbe: {  	_ =	sfence.sel $0xFFFF  }
0xbf: {  	[dreg:$0x0] =	wrdreg $0xFFFFFFFF;
	(pc) =	sbr.abs _section_cstart, $3  }
0xc0: {  	[dreg:$0x1] =	wrdreg $0xFFFFFFFF  }
0xc1: {  	_ =	task.clear_ibuf [dreg:s7], $0x2FFFF;
	_ =	strace $0x9FFFFFFF  }
0xc2: {  	(tm) =	ssettm $0x7FFFFFFF  }
0xc3: {  	_ =	shalt  }
tec
execute0_lowered:
.L_overlay_start_1:
0x0: {  	(tag) =	ssettag $0x1  }
0x1: {  	s0 =	rddreg [dreg:$0x0]  }
0x2: {  	s1 =	rddreg [dreg:$0x1]  }
0x3: {  	s2 =	srdreg.scid;
	s3 =	stileid.u32;
	s14 =	simm.s32 $0x1  }
0x4: {  	s16 =	simm.s32 $0x880;
	s17 =	simm.s32 $0x1080;
	s18 =	simm.s32 $0x1880  }
0x5: {  	s19 =	simm.s32 $0x2080;
	s20 =	simm.s32 $0x2880;
	s21 =	simm.s32 $0x3080  }
0x6: {  	s22 =	simm.s32 $0x3880;
	s23 =	simm.s32 $0x4080;
	s28 =	simm.s32 $0x6080  }
0x7: {  	s29 =	simm.s32 $0x6880;
	s30 =	simm.s32 $0x7080;
	s31 =	simm.s32 $0x7880  }
0x8: {  	s10 =	simm.s32 $0xA080;
	s11 =	simm.s32 $0xA880;
	s12 =	simm.s32 $0xB080  }
0x9: {  	s13 =	simm.s32 $0xB880;
	s4 =	sand.u32 $0x1, s2;
	s2 =	simm.s32 $0x0  }
0xa: {  	s3 =	sshll.u32 s3, $0x8;
	s5 =	sshll.u32 s4, $0x7;
	[smem:$0x7FF] =	sst s2  }
0xb: {  	s4 =	ssub.s32 $0x2, s4;
	s5 =	sor.u32 s5, s3;
	_ =	strace $0x8000004A  }
0xc: {  	s3 =	sadd.s32 $0x3D1200, s0;
	s9 =	sshrl.u32 s4, $0x1;
	s6 =	sshrl.u32 s5, $0x3  }
0xd: {  	s5 =	sshll.u32 s5, $0x6;
	s24 =	ssub.s32 s4, s9;
	s4 =	sadd.s32 $0x3D1300, s0  }
0xe: {  	s9 =	simm.s32 $0x9880;
	s6 =	sadd.s32 s6, s0;
	s1 =	sadd.s32 s1, s5  }
0xf: {  	s7 =	sadd.s32 s5, s0;
	s8 =	sadd.s32 $0x10E00, s6;
	[dreg:$0x4] =	wrdreg s1  }
0x10: {  	s5 =	smax.u32 s24, $0x1;
	s25 =	sadd.s32 $0x11000, s6;
	[dreg:$0x3] =	wrdreg s8  }
0x11: {  	v2 =	vlaneseq.u32;
	s24 =	simm.s32 $0x4880;
	s26 =	sadd.s32 $0x11200, s7;
	[dreg:$0x5] =	wrdreg s25  }
0x12: {  	vm0 =	vmmov $0xffff;
	v1 =	vshrl.u32 v2, $0x3;
	s6 =	simm.s32 $0x2;
	s7 =	simm.s32 $0xC080;
	[dreg:$0x6] =	wrdreg s26  }
0x13: {  	v0 =	vand.u32 $0x7, v2;
	v2 =	vor.u32 $0x8, v2;
	v1 =	vmul.u32 $0x8, v1;
	s25 =	simm.s32 $0x5080;
	s26 =	simm.s32 $0x5880;
	s8 =	simm.s32 $0x9080  }
.LBB2_1:
0x14: {  	s15 =	rddreg [dreg:$0x3]  }
0x15: {  	[tilespmem:s2], [sflag:$0x2] =	stream.linear.gather [hbm4b:s15+s2], $0x80, $0x38;
	[tilespmem:$0x10080] =	vst v63  }
0x16: {  	_ =	swait.ge [sflag:s6], $0x80  }
0x17: {  	[sflag:s6] =	ssyncset.done $0x0  }
0x18: {  	[sflag:s6] =	ssyncadd.s32 $0xFFFFFF80  }
0x19: {  	v3 =	vld [tilespmem:$0x0];
	_ =	sdelay $0x4  }
0x1a: {  	v4 =	vshll.u32 v3, $0x2  }
0x1b: {  	v3 =	vand.u32 $0x7, v3;
	v4 =	vand.u32 $0xFFFFFFE0, v4  }
0x1c: {  	v3 =	vor.u32 v3, v4  }
0x1d: {  	v4 =	vperm.xlane v3, v0;
	_ =	sdelay $0x1  }
0x1e: {  	v4 =	vadd.s32 v1, v4;
	_ =	sdelay $0x1  }
0x1f: {  	v3 =	vperm.xlane v3, v2;
	_ =	sdelay $0x1  }
0x20: {  	s0 =	simm.s32 $0x80;
	v3 =	vadd.s32 v1, v3  }
0x21: {  	[tilespmem:s0], [sflag:$0x1] =	stream.indirect_vreg.gather [hbm4b:s3+s2], $0x80, v4, vm0, $0xb8;
	[tilespmem:$0x10080] =	vst v63  }
0x22: {  	_ = 	snop  }
0x23: {  	[tilespmem:s16], [sflag:$0x1] =	stream.indirect_vreg.gather [hbm4b:s4+s2], $0x80, v4, vm0, $0xb8;
	[tilespmem:$0x10080] =	vst v63  }
0x24: {  	_ = 	snop  }
0x25: {  	[tilespmem:s17], [sflag:$0x1] =	stream.indirect_vreg.gather [hbm4b:s3+s2], $0x80, v3, vm0, $0xb8;
	[tilespmem:$0x10080] =	vst v63  }
0x26: {  	_ = 	snop  }
0x27: {  	[tilespmem:s18], [sflag:$0x1] =	stream.indirect_vreg.gather [hbm4b:s4+s2], $0x80, v3, vm0, $0xb8;
	[tilespmem:$0x10080] =	vst v63  }
0x28: {  	v3 =	vld [tilespmem:$0x10];
	_ =	sdelay $0x4  }
0x29: {  	v49 =	vshll.u32 v3, $0x2  }
0x2a: {  	v3 =	vand.u32 $0x7, v3;
	v4 =	vand.u32 $0xFFFFFFE0, v49  }
0x2b: {  	v3 =	vor.u32 v3, v4  }
0x2c: {  	v4 =	vperm.xlane v3, v0;
	_ =	sdelay $0x1  }
0x2d: {  	v4 =	vadd.s32 v1, v4;
	_ =	sdelay $0x1  }
0x2e: {  	v3 =	vperm.xlane v3, v2;
	_ =	sdelay $0x1  }
0x2f: {  	v3 =	vadd.s32 v1, v3  }
0x30: {  	[tilespmem:s19], [sflag:$0x1] =	stream.indirect_vreg.gather [hbm4b:s3+s2], $0x80, v4, vm0, $0xb8;
	[tilespmem:$0x10080] =	vst v63  }
0x31: {  	_ = 	snop  }
0x32: {  	[tilespmem:s20], [sflag:$0x1] =	stream.indirect_vreg.gather [hbm4b:s4+s2], $0x80, v4, vm0, $0xb8;
	[tilespmem:$0x10080] =	vst v63  }
0x33: {  	_ = 	snop  }
0x34: {  	[tilespmem:s21], [sflag:$0x1] =	stream.indirect_vreg.gather [hbm4b:s3+s2], $0x80, v3, vm0, $0xb8;
	[tilespmem:$0x10080] =	vst v63  }
0x35: {  	_ = 	snop  }
0x36: {  	[tilespmem:s22], [sflag:$0x1] =	stream.indirect_vreg.gather [hbm4b:s4+s2], $0x80, v3, vm0, $0xb8;
	[tilespmem:$0x10080] =	vst v63  }
0x37: {  	v3 =	vld [tilespmem:$0x20];
	_ =	sdelay $0x4  }
0x38: {  	v50 =	vshll.u32 v3, $0x2  }
0x39: {  	v3 =	vand.u32 $0x7, v3;
	v4 =	vand.u32 $0xFFFFFFE0, v50  }
0x3a: {  	v3 =	vor.u32 v3, v4  }
0x3b: {  	v4 =	vperm.xlane v3, v0;
	_ =	sdelay $0x1  }
0x3c: {  	v4 =	vadd.s32 v1, v4;
	_ =	sdelay $0x1  }
0x3d: {  	v3 =	vperm.xlane v3, v2;
	_ =	sdelay $0x1  }
0x3e: {  	v3 =	vadd.s32 v1, v3  }
0x3f: {  	[tilespmem:s23], [sflag:$0x1] =	stream.indirect_vreg.gather [hbm4b:s3+s2], $0x80, v4, vm0, $0xb8;
	[tilespmem:$0x10080] =	vst v63  }
0x40: {  	_ = 	snop  }
0x41: {  	[tilespmem:s24], [sflag:$0x1] =	stream.indirect_vreg.gather [hbm4b:s4+s2], $0x80, v4, vm0, $0xb8;
	[tilespmem:$0x10080] =	vst v63  }
0x42: {  	_ = 	snop  }
0x43: {  	[tilespmem:s25], [sflag:$0x1] =	stream.indirect_vreg.gather [hbm4b:s3+s2], $0x80, v3, vm0, $0xb8;
	[tilespmem:$0x10080] =	vst v63  }
0x44: {  	_ = 	snop  }
0x45: {  	[tilespmem:s26], [sflag:$0x1] =	stream.indirect_vreg.gather [hbm4b:s4+s2], $0x80, v3, vm0, $0xb8;
	[tilespmem:$0x10080] =	vst v63  }
0x46: {  	v3 =	vld [tilespmem:$0x30];
	_ =	sdelay $0x4  }
0x47: {  	v51 =	vshll.u32 v3, $0x2  }
0x48: {  	v3 =	vand.u32 $0x7, v3;
	v4 =	vand.u32 $0xFFFFFFE0, v51  }
0x49: {  	v3 =	vor.u32 v3, v4  }
0x4a: {  	v4 =	vperm.xlane v3, v0;
	_ =	sdelay $0x1  }
0x4b: {  	v4 =	vadd.s32 v1, v4;
	_ =	sdelay $0x1  }
0x4c: {  	v3 =	vperm.xlane v3, v2;
	_ =	sdelay $0x1  }
0x4d: {  	v3 =	vadd.s32 v1, v3  }
0x4e: {  	[tilespmem:s28], [sflag:$0x1] =	stream.indirect_vreg.gather [hbm4b:s3+s2], $0x80, v4, vm0, $0xb8;
	[tilespmem:$0x10080] =	vst v63  }
0x4f: {  	_ = 	snop  }
0x50: {  	[tilespmem:s29], [sflag:$0x1] =	stream.indirect_vreg.gather [hbm4b:s4+s2], $0x80, v4, vm0, $0xb8;
	[tilespmem:$0x10080] =	vst v63  }
0x51: {  	_ = 	snop  }
0x52: {  	[tilespmem:s30], [sflag:$0x1] =	stream.indirect_vreg.gather [hbm4b:s3+s2], $0x80, v3, vm0, $0xb8;
	[tilespmem:$0x10080] =	vst v63  }
0x53: {  	_ = 	snop  }
0x54: {  	[tilespmem:s31], [sflag:$0x1] =	stream.indirect_vreg.gather [hbm4b:s4+s2], $0x80, v3, vm0, $0xb8;
	[tilespmem:$0x10080] =	vst v63  }
0x55: {  	v3 =	vld [tilespmem:$0x40];
	_ =	sdelay $0x4  }
0x56: {  	v52 =	vshll.u32 v3, $0x2  }
0x57: {  	v3 =	vand.u32 $0x7, v3;
	v4 =	vand.u32 $0xFFFFFFE0, v52  }
0x58: {  	v3 =	vor.u32 v3, v4  }
0x59: {  	v4 =	vperm.xlane v3, v0;
	_ =	sdelay $0x1  }
0x5a: {  	v4 =	vadd.s32 v1, v4;
	_ =	sdelay $0x1  }
0x5b: {  	v3 =	vperm.xlane v3, v2;
	_ =	sdelay $0x1  }
0x5c: {  	s1 =	simm.s32 $0x8080;
	v3 =	vadd.s32 v1, v3  }
0x5d: {  	[tilespmem:s1], [sflag:$0x1] =	stream.indirect_vreg.gather [hbm4b:s3+s2], $0x80, v4, vm0, $0xb8;
	[tilespmem:$0x10080] =	vst v63  }
0x5e: {  	s1 =	simm.s32 $0x8880  }
0x5f: {  	[tilespmem:s1], [sflag:$0x1] =	stream.indirect_vreg.gather [hbm4b:s4+s2], $0x80, v4, vm0, $0xb8;
	[tilespmem:$0x10080] =	vst v63  }
0x60: {  	_ = 	snop  }
0x61: {  	[tilespmem:s8], [sflag:$0x1] =	stream.indirect_vreg.gather [hbm4b:s3+s2], $0x80, v3, vm0, $0xb8;
	[tilespmem:$0x10080] =	vst v63  }
0x62: {  	_ = 	snop  }
0x63: {  	[tilespmem:s9], [sflag:$0x1] =	stream.indirect_vreg.gather [hbm4b:s4+s2], $0x80, v3, vm0, $0xb8;
	[tilespmem:$0x10080] =	vst v63  }
0x64: {  	v3 =	vld [tilespmem:$0x50];
	_ =	sdelay $0x4  }
0x65: {  	v53 =	vshll.u32 v3, $0x2  }
0x66: {  	v3 =	vand.u32 $0x7, v3;
	v4 =	vand.u32 $0xFFFFFFE0, v53  }
0x67: {  	v3 =	vor.u32 v3, v4  }
0x68: {  	v4 =	vperm.xlane v3, v0;
	_ =	sdelay $0x1  }
0x69: {  	v4 =	vadd.s32 v1, v4;
	_ =	sdelay $0x1  }
0x6a: {  	v3 =	vperm.xlane v3, v2;
	_ =	sdelay $0x1  }
0x6b: {  	v3 =	vadd.s32 v1, v3  }
0x6c: {  	[tilespmem:s10], [sflag:$0x1] =	stream.indirect_vreg.gather [hbm4b:s3+s2], $0x80, v4, vm0, $0xb8;
	[tilespmem:$0x10080] =	vst v63  }
0x6d: {  	_ = 	snop  }
0x6e: {  	[tilespmem:s11], [sflag:$0x1] =	stream.indirect_vreg.gather [hbm4b:s4+s2], $0x80, v4, vm0, $0xb8;
	[tilespmem:$0x10080] =	vst v63  }
0x6f: {  	_ = 	snop  }
0x70: {  	[tilespmem:s12], [sflag:$0x1] =	stream.indirect_vreg.gather [hbm4b:s3+s2], $0x80, v3, vm0, $0xb8;
	[tilespmem:$0x10080] =	vst v63  }
0x71: {  	_ = 	snop  }
0x72: {  	[tilespmem:s13], [sflag:$0x1] =	stream.indirect_vreg.gather [hbm4b:s4+s2], $0x80, v3, vm0, $0xb8;
	[tilespmem:$0x10080] =	vst v63  }
0x73: {  	v3 =	vld [tilespmem:$0x60];
	_ =	sdelay $0x4  }
0x74: {  	v54 =	vshll.u32 v3, $0x2  }
0x75: {  	v3 =	vand.u32 $0x7, v3;
	v4 =	vand.u32 $0xFFFFFFE0, v54  }
0x76: {  	v3 =	vor.u32 v3, v4  }
0x77: {  	v4 =	vperm.xlane v3, v0;
	_ =	sdelay $0x1  }
0x78: {  	v4 =	vadd.s32 v1, v4;
	_ =	sdelay $0x1  }
0x79: {  	v3 =	vperm.xlane v3, v2;
	_ =	sdelay $0x1  }
0x7a: {  	v3 =	vadd.s32 v1, v3  }
0x7b: {  	[tilespmem:s7], [sflag:$0x1] =	stream.indirect_vreg.gather [hbm4b:s3+s2], $0x80, v4, vm0, $0xb8;
	[tilespmem:$0x10080] =	vst v63  }
0x7c: {  	s15 =	simm.s32 $0xC880  }
0x7d: {  	[tilespmem:s15], [sflag:$0x1] =	stream.indirect_vreg.gather [hbm4b:s4+s2], $0x80, v4, vm0, $0xb8;
	[tilespmem:$0x10080] =	vst v63  }
0x7e: {  	s15 =	simm.s32 $0xD080  }
0x7f: {  	[tilespmem:s15], [sflag:$0x1] =	stream.indirect_vreg.gather [hbm4b:s3+s2], $0x80, v3, vm0, $0xb8;
	[tilespmem:$0x10080] =	vst v63  }
0x80: {  	s15 =	simm.s32 $0xD880  }
0x81: {  	[tilespmem:s15], [sflag:$0x1] =	stream.indirect_vreg.gather [hbm4b:s4+s2], $0x80, v3, vm0, $0xb8;
	[tilespmem:$0x10080] =	vst v63  }
0x82: {  	v3 =	vld [tilespmem:$0x70];
	_ =	sdelay $0x4  }
0x83: {  	v55 =	vshll.u32 v3, $0x2  }
0x84: {  	v3 =	vand.u32 $0x7, v3;
	v4 =	vand.u32 $0xFFFFFFE0, v55  }
0x85: {  	v3 =	vor.u32 v3, v4  }
0x86: {  	v4 =	vperm.xlane v3, v0;
	_ =	sdelay $0x1  }
0x87: {  	v4 =	vadd.s32 v1, v4;
	_ =	sdelay $0x1  }
0x88: {  	v3 =	vperm.xlane v3, v2;
	_ =	sdelay $0x1  }
0x89: {  	s15 =	simm.s32 $0xE080;
	v3 =	vadd.s32 v1, v3  }
0x8a: {  	[tilespmem:s15], [sflag:$0x1] =	stream.indirect_vreg.gather [hbm4b:s3+s2], $0x80, v4, vm0, $0xb8;
	[tilespmem:$0x10080] =	vst v63  }
0x8b: {  	s15 =	simm.s32 $0xE880  }
0x8c: {  	[tilespmem:s15], [sflag:$0x1] =	stream.indirect_vreg.gather [hbm4b:s4+s2], $0x80, v4, vm0, $0xb8;
	[tilespmem:$0x10080] =	vst v63  }
0x8d: {  	s15 =	simm.s32 $0xF080  }
0x8e: {  	[tilespmem:s15], [sflag:$0x1] =	stream.indirect_vreg.gather [hbm4b:s3+s2], $0x80, v3, vm0, $0xb8;
	[tilespmem:$0x10080] =	vst v63  }
0x8f: {  	s15 =	simm.s32 $0xF880  }
0x90: {  	[tilespmem:s15], [sflag:$0x1] =	stream.indirect_vreg.gather [hbm4b:s4+s2], $0x80, v3, vm0, $0xb8;
	[tilespmem:$0x10080] =	vst v63  }
0x91: {  	_ =	swait.ge [sflag:s14], $0x10000  }
0x92: {  	[sflag:s14] =	ssyncset.done $0x0  }
0x93: {  	s0 =	simm.s32 $0x80;
	s15 =	rddreg [dreg:$0x4];
	[sflag:s14] =	ssyncadd.s32 $0xFFFF0000  }
0x94: {  	[hbm4b:s15+s2] =	stream.linear.scatter [tilespmem:s0], [sflag:$0x2], $0x10000, $0x38;
	[tilespmem:$0x10080] =	vst v63  }
0x95: {  	_ =	swait.ge [sflag:s6], $0x10000  }
0x96: {  	[sflag:s6] =	ssyncset.done $0x0  }
0x97: {  	s15 =	rddreg [dreg:$0x5];
	[sflag:s6] =	ssyncadd.s32 $0xFFFF0000  }
0x98: {  	[tilespmem:s2], [sflag:$0x2] =	stream.linear.gather [hbm4b:s15+s2], $0x80, $0x38;
	[tilespmem:$0x10080] =	vst v63  }
0x99: {  	_ =	swait.ge [sflag:s6], $0x80  }
0x9a: {  	[sflag:s6] =	ssyncset.done $0x0  }
0x9b: {  	[sflag:s6] =	ssyncadd.s32 $0xFFFFFF80  }
0x9c: {  	v3 =	vld [tilespmem:$0x0];
	_ =	sdelay $0x4  }
0x9d: {  	v56 =	vshll.u32 v3, $0x2  }
0x9e: {  	v3 =	vand.u32 $0x7, v3;
	v4 =	vand.u32 $0xFFFFFFE0, v56  }
0x9f: {  	v3 =	vor.u32 v3, v4  }
0xa0: {  	v4 =	vperm.xlane v3, v0;
	_ =	sdelay $0x1  }
0xa1: {  	v4 =	vadd.s32 v1, v4;
	_ =	sdelay $0x1  }
0xa2: {  	v3 =	vperm.xlane v3, v2;
	_ =	sdelay $0x1  }
0xa3: {  	v3 =	vadd.s32 v1, v3  }
0xa4: {  	[tilespmem:s0], [sflag:$0x1] =	stream.indirect_vreg.gather [hbm4b:s3+s2], $0x80, v4, vm0, $0xb8;
	[tilespmem:$0x10080] =	vst v63  }
0xa5: {  	_ = 	snop  }
0xa6: {  	[tilespmem:s16], [sflag:$0x1] =	stream.indirect_vreg.gather [hbm4b:s4+s2], $0x80, v4, vm0, $0xb8;
	[tilespmem:$0x10080] =	vst v63  }
0xa7: {  	_ = 	snop  }
0xa8: {  	[tilespmem:s17], [sflag:$0x1] =	stream.indirect_vreg.gather [hbm4b:s3+s2], $0x80, v3, vm0, $0xb8;
	[tilespmem:$0x10080] =	vst v63  }
0xa9: {  	_ = 	snop  }
0xaa: {  	[tilespmem:s18], [sflag:$0x1] =	stream.indirect_vreg.gather [hbm4b:s4+s2], $0x80, v3, vm0, $0xb8;
	[tilespmem:$0x10080] =	vst v63  }
0xab: {  	v3 =	vld [tilespmem:$0x10];
	_ =	sdelay $0x4  }
0xac: {  	v57 =	vshll.u32 v3, $0x2  }
0xad: {  	v3 =	vand.u32 $0x7, v3;
	v4 =	vand.u32 $0xFFFFFFE0, v57  }
0xae: {  	v3 =	vor.u32 v3, v4  }
0xaf: {  	v4 =	vperm.xlane v3, v0;
	_ =	sdelay $0x1  }
0xb0: {  	v4 =	vadd.s32 v1, v4;
	_ =	sdelay $0x1  }
0xb1: {  	v3 =	vperm.xlane v3, v2;
	_ =	sdelay $0x1  }
0xb2: {  	v3 =	vadd.s32 v1, v3  }
0xb3: {  	[tilespmem:s19], [sflag:$0x1] =	stream.indirect_vreg.gather [hbm4b:s3+s2], $0x80, v4, vm0, $0xb8;
	[tilespmem:$0x10080] =	vst v63  }
0xb4: {  	_ = 	snop  }
0xb5: {  	[tilespmem:s20], [sflag:$0x1] =	stream.indirect_vreg.gather [hbm4b:s4+s2], $0x80, v4, vm0, $0xb8;
	[tilespmem:$0x10080] =	vst v63  }
0xb6: {  	_ = 	snop  }
0xb7: {  	[tilespmem:s21], [sflag:$0x1] =	stream.indirect_vreg.gather [hbm4b:s3+s2], $0x80, v3, vm0, $0xb8;
	[tilespmem:$0x10080] =	vst v63  }
0xb8: {  	_ = 	snop  }
0xb9: {  	[tilespmem:s22], [sflag:$0x1] =	stream.indirect_vreg.gather [hbm4b:s4+s2], $0x80, v3, vm0, $0xb8;
	[tilespmem:$0x10080] =	vst v63  }
0xba: {  	v3 =	vld [tilespmem:$0x20];
	_ =	sdelay $0x4  }
0xbb: {  	v58 =	vshll.u32 v3, $0x2  }
0xbc: {  	v3 =	vand.u32 $0x7, v3;
	v4 =	vand.u32 $0xFFFFFFE0, v58  }
0xbd: {  	v3 =	vor.u32 v3, v4  }
0xbe: {  	v4 =	vperm.xlane v3, v0;
	_ =	sdelay $0x1  }
0xbf: {  	v4 =	vadd.s32 v1, v4;
	_ =	sdelay $0x1  }
0xc0: {  	v3 =	vperm.xlane v3, v2;
	_ =	sdelay $0x1  }
0xc1: {  	v3 =	vadd.s32 v1, v3  }
0xc2: {  	[tilespmem:s23], [sflag:$0x1] =	stream.indirect_vreg.gather [hbm4b:s3+s2], $0x80, v4, vm0, $0xb8;
	[tilespmem:$0x10080] =	vst v63  }
0xc3: {  	_ = 	snop  }
0xc4: {  	[tilespmem:s24], [sflag:$0x1] =	stream.indirect_vreg.gather [hbm4b:s4+s2], $0x80, v4, vm0, $0xb8;
	[tilespmem:$0x10080] =	vst v63  }
0xc5: {  	_ = 	snop  }
0xc6: {  	[tilespmem:s25], [sflag:$0x1] =	stream.indirect_vreg.gather [hbm4b:s3+s2], $0x80, v3, vm0, $0xb8;
	[tilespmem:$0x10080] =	vst v63  }
0xc7: {  	_ = 	snop  }
0xc8: {  	[tilespmem:s26], [sflag:$0x1] =	stream.indirect_vreg.gather [hbm4b:s4+s2], $0x80, v3, vm0, $0xb8;
	[tilespmem:$0x10080] =	vst v63  }
0xc9: {  	v3 =	vld [tilespmem:$0x30];
	_ =	sdelay $0x4  }
0xca: {  	v59 =	vshll.u32 v3, $0x2  }
0xcb: {  	v3 =	vand.u32 $0x7, v3;
	v4 =	vand.u32 $0xFFFFFFE0, v59  }
0xcc: {  	v3 =	vor.u32 v3, v4  }
0xcd: {  	v4 =	vperm.xlane v3, v0;
	_ =	sdelay $0x1  }
0xce: {  	v4 =	vadd.s32 v1, v4;
	_ =	sdelay $0x1  }
0xcf: {  	v3 =	vperm.xlane v3, v2;
	_ =	sdelay $0x1  }
0xd0: {  	v3 =	vadd.s32 v1, v3  }
0xd1: {  	[tilespmem:s28], [sflag:$0x1] =	stream.indirect_vreg.gather [hbm4b:s3+s2], $0x80, v4, vm0, $0xb8;
	[tilespmem:$0x10080] =	vst v63  }
0xd2: {  	_ = 	snop  }
0xd3: {  	[tilespmem:s29], [sflag:$0x1] =	stream.indirect_vreg.gather [hbm4b:s4+s2], $0x80, v4, vm0, $0xb8;
	[tilespmem:$0x10080] =	vst v63  }
0xd4: {  	_ = 	snop  }
0xd5: {  	[tilespmem:s30], [sflag:$0x1] =	stream.indirect_vreg.gather [hbm4b:s3+s2], $0x80, v3, vm0, $0xb8;
	[tilespmem:$0x10080] =	vst v63  }
0xd6: {  	_ = 	snop  }
0xd7: {  	[tilespmem:s31], [sflag:$0x1] =	stream.indirect_vreg.gather [hbm4b:s4+s2], $0x80, v3, vm0, $0xb8;
	[tilespmem:$0x10080] =	vst v63  }
0xd8: {  	v3 =	vld [tilespmem:$0x40];
	_ =	sdelay $0x4  }
0xd9: {  	v60 =	vshll.u32 v3, $0x2  }
0xda: {  	v3 =	vand.u32 $0x7, v3;
	v4 =	vand.u32 $0xFFFFFFE0, v60  }
0xdb: {  	v3 =	vor.u32 v3, v4  }
0xdc: {  	v4 =	vperm.xlane v3, v0;
	_ =	sdelay $0x1  }
0xdd: {  	v4 =	vadd.s32 v1, v4;
	_ =	sdelay $0x1  }
0xde: {  	v3 =	vperm.xlane v3, v2;
	_ =	sdelay $0x1  }
0xdf: {  	s15 =	simm.s32 $0x8080;
	v3 =	vadd.s32 v1, v3  }
0xe0: {  	[tilespmem:s15], [sflag:$0x1] =	stream.indirect_vreg.gather [hbm4b:s3+s2], $0x80, v4, vm0, $0xb8;
	[tilespmem:$0x10080] =	vst v63  }
0xe1: {  	_ = 	snop  }
0xe2: {  	[tilespmem:s1], [sflag:$0x1] =	stream.indirect_vreg.gather [hbm4b:s4+s2], $0x80, v4, vm0, $0xb8;
	[tilespmem:$0x10080] =	vst v63  }
0xe3: {  	_ = 	snop  }
0xe4: {  	[tilespmem:s8], [sflag:$0x1] =	stream.indirect_vreg.gather [hbm4b:s3+s2], $0x80, v3, vm0, $0xb8;
	[tilespmem:$0x10080] =	vst v63  }
0xe5: {  	_ = 	snop  }
0xe6: {  	[tilespmem:s9], [sflag:$0x1] =	stream.indirect_vreg.gather [hbm4b:s4+s2], $0x80, v3, vm0, $0xb8;
	[tilespmem:$0x10080] =	vst v63  }
0xe7: {  	v3 =	vld [tilespmem:$0x50];
	_ =	sdelay $0x4  }
0xe8: {  	v61 =	vshll.u32 v3, $0x2  }
0xe9: {  	v3 =	vand.u32 $0x7, v3;
	v4 =	vand.u32 $0xFFFFFFE0, v61  }
0xea: {  	v3 =	vor.u32 v3, v4  }
0xeb: {  	v4 =	vperm.xlane v3, v0;
	_ =	sdelay $0x1  }
0xec: {  	v4 =	vadd.s32 v1, v4;
	_ =	sdelay $0x1  }
0xed: {  	v3 =	vperm.xlane v3, v2;
	_ =	sdelay $0x1  }
0xee: {  	v3 =	vadd.s32 v1, v3  }
0xef: {  	[tilespmem:s10], [sflag:$0x1] =	stream.indirect_vreg.gather [hbm4b:s3+s2], $0x80, v4, vm0, $0xb8;
	[tilespmem:$0x10080] =	vst v63  }
0xf0: {  	_ = 	snop  }
0xf1: {  	[tilespmem:s11], [sflag:$0x1] =	stream.indirect_vreg.gather [hbm4b:s4+s2], $0x80, v4, vm0, $0xb8;
	[tilespmem:$0x10080] =	vst v63  }
0xf2: {  	_ = 	snop  }
0xf3: {  	[tilespmem:s12], [sflag:$0x1] =	stream.indirect_vreg.gather [hbm4b:s3+s2], $0x80, v3, vm0, $0xb8;
	[tilespmem:$0x10080] =	vst v63  }
0xf4: {  	_ = 	snop  }
0xf5: {  	[tilespmem:s13], [sflag:$0x1] =	stream.indirect_vreg.gather [hbm4b:s4+s2], $0x80, v3, vm0, $0xb8;
	[tilespmem:$0x10080] =	vst v63  }
0xf6: {  	v3 =	vld [tilespmem:$0x60];
	_ =	sdelay $0x4  }
0xf7: {  	v62 =	vshll.u32 v3, $0x2  }
0xf8: {  	v3 =	vand.u32 $0x7, v3;
	v4 =	vand.u32 $0xFFFFFFE0, v62  }
0xf9: {  	v3 =	vor.u32 v3, v4  }
0xfa: {  	v4 =	vperm.xlane v3, v0;
	_ =	sdelay $0x1  }
0xfb: {  	v4 =	vadd.s32 v1, v4;
	_ =	sdelay $0x1  }
0xfc: {  	v3 =	vperm.xlane v3, v2;
	_ =	sdelay $0x1  }
0xfd: {  	v3 =	vadd.s32 v1, v3  }
0xfe: {  	[tilespmem:s7], [sflag:$0x1] =	stream.indirect_vreg.gather [hbm4b:s3+s2], $0x80, v4, vm0, $0xb8;
	[tilespmem:$0x10080] =	vst v63  }
0xff: {  	s15 =	simm.s32 $0xC880  }
0x100: {  	[tilespmem:s15], [sflag:$0x1] =	stream.indirect_vreg.gather [hbm4b:s4+s2], $0x80, v4, vm0, $0xb8;
	[tilespmem:$0x10080] =	vst v63  }
0x101: {  	s15 =	simm.s32 $0xD080  }
0x102: {  	[tilespmem:s15], [sflag:$0x1] =	stream.indirect_vreg.gather [hbm4b:s3+s2], $0x80, v3, vm0, $0xb8;
	[tilespmem:$0x10080] =	vst v63  }
0x103: {  	s15 =	simm.s32 $0xD880  }
0x104: {  	[tilespmem:s15], [sflag:$0x1] =	stream.indirect_vreg.gather [hbm4b:s4+s2], $0x80, v3, vm0, $0xb8;
	[tilespmem:$0x10080] =	vst v63  }
0x105: {  	v3 =	vld [tilespmem:$0x70];
	_ =	sdelay $0x4  }
0x106: {  	v63 =	vshll.u32 v3, $0x2  }
0x107: {  	v3 =	vand.u32 $0x7, v3;
	v4 =	vand.u32 $0xFFFFFFE0, v63  }
0x108: {  	v3 =	vor.u32 v3, v4  }
0x109: {  	v4 =	vperm.xlane v3, v0;
	_ =	sdelay $0x1  }
0x10a: {  	v4 =	vadd.s32 v1, v4;
	_ =	sdelay $0x1  }
0x10b: {  	v3 =	vperm.xlane v3, v2;
	_ =	sdelay $0x1  }
0x10c: {  	s15 =	simm.s32 $0xE080;
	v3 =	vadd.s32 v1, v3  }
0x10d: {  	[tilespmem:s15], [sflag:$0x1] =	stream.indirect_vreg.gather [hbm4b:s3+s2], $0x80, v4, vm0, $0xb8;
	[tilespmem:$0x10080] =	vst v63  }
0x10e: {  	s15 =	simm.s32 $0xE880  }
0x10f: {  	[tilespmem:s15], [sflag:$0x1] =	stream.indirect_vreg.gather [hbm4b:s4+s2], $0x80, v4, vm0, $0xb8;
	[tilespmem:$0x10080] =	vst v63  }
0x110: {  	s15 =	simm.s32 $0xF080  }
0x111: {  	[tilespmem:s15], [sflag:$0x1] =	stream.indirect_vreg.gather [hbm4b:s3+s2], $0x80, v3, vm0, $0xb8;
	[tilespmem:$0x10080] =	vst v63  }
0x112: {  	s15 =	simm.s32 $0xF880  }
0x113: {  	[tilespmem:s15], [sflag:$0x1] =	stream.indirect_vreg.gather [hbm4b:s4+s2], $0x80, v3, vm0, $0xb8;
	[tilespmem:$0x10080] =	vst v63  }
0x114: {  	_ =	swait.ge [sflag:s14], $0x10000  }
0x115: {  	p0 =	sne.s32 s5, $0x1;
	s0 =	simm.s32 $0x80;
	[sflag:s14] =	ssyncset.done $0x0  }
.Ltmp0:
0x116: {  	s1 =	rddreg [dreg:$0x6];
	[sflag:s14] =	ssyncadd.s32 $0xFFFF0000;
	(pc) =	sbr.rel @p0 .LBB2_1-.Ltmp0, $4  }
0x117: {  	[hbm4b:s1+s2] =	stream.linear.scatter [tilespmem:s0], [sflag:$0x2], $0x10000, $0x38;
	[tilespmem:$0x10080] =	vst v63  }
0x118: {  	_ =	swait.ge [sflag:s6], $0x10000  }
0x119: {  	[sflag:s6] =	ssyncset.done $0x0  }
0x11a: {  	s5 =	sadd.s32 $0xFFFFFFFF, s5;
	[sflag:s6] =	ssyncadd.s32 $0xFFFF0000  }
0x11b: {  	_ =	sfence.sel $0x180000  }
0x11c: {  	[bflag:$0x0] =	sbarrier.arrive $0xFFFF  }
0x11d: {  	_ =	strace $0x9000004A  }
0x11e: {  	s0 =	stileid.u32;
	[bflag:$0x2] =	sbarrier.arrive $0xFFFF  }
0x11f: {  	p0 =	sne.s32 s0, $0x0;
	s0 =	rddreg [dreg:$0x2]  }
0x120: {  	s0 =	sadd.s32 @!p0 $0x100000, s0  }
0x121: {  	[sflag:s0] =	ssyncadd.tile.s32 @!p0 $0x1;
	_ =	shalt  }
.Lfunc_end2:
_tile_overlayer_lowered:
.L_overlay_start_2:
0x122: {  	(tag) =	ssettag $0x2  }
0x123: {  	s0 =	rddreg [dreg:$0x0];
	s2 =	stileid.u32  }
0x124: {  	s1 =	rddreg [dreg:$0x1];
	p0 =	sne.s32 s2, $0x0  }
0x125: {  	s3 =	rddreg [dreg:$0x2];
	[bflag:$0x3] =	sbarrier.arrive $0xFFFF;
	s2 =	simm.s32 @!p0 $0x1C02  }
0x126: {  	[timem:s3], [sflag:s2] =	dma.local @!p0 [hbm:s0], s1  }
0x127: {  	s0 =	simm.s32 @!p0 $0x2  }
0x128: {  	_ =	swait.ge @!p0 [sflag:s0], s1  }
0x129: {  	s1 =	ssub.s32 @!p0 $0x0, s1;
	[sflag:s0] =	ssyncset.done @!p0 $0x0  }
0x12a: {  	[sflag:s0] =	ssyncadd.s32 @!p0 s1  }
0x12b: {  	[bflag:$0x3] =	sbarrier.arrive $0xFFFF  }
0x12c: {  	_ =	shalt  }

// kernel: kernel.8.cloned.1.call-start
scs
__scs_entry_jumppad:
0x0: {  	(pc) =	sbr.rel $0x88, $3  }
0x1: {  	(tag) =	ssettag $0x0;
	lr =	simm.s32 $0x1  }
0x2: {  	[smem:$0x3F9B] =	sst lr;
	_ =	strace $0xD0000000  }
0x3: {  	_ = 	snop  }
0x4: {  	_ = 	snop  }
0x5: {  	_ = 	snop  }
0x6: {  	_ = 	snop  }
0x7: {  	_ = 	snop  }
__scs_overlays_trampoline_lowered:
0x8: {  	[smem:$0x3FAA] =	sst s0  }
0x9: {  	[smem:$0x3FAB] =	sst s1  }
0xa: {  	[smem:$0x3FAC] =	sst s2  }
0xb: {  	[smem:$0x3FAD] =	sst s3  }
0xc: {  	[smem:$0x3FAE] =	sst s4  }
0xd: {  	[smem:$0x3FAF] =	sst s5  }
0xe: {  	[smem:$0x3FB0] =	sst s6  }
0xf: {  	[smem:$0x3FB1] =	sst s7  }
0x10: {  	[smem:$0x3FB2] =	sst s8  }
0x11: {  	[smem:$0x3FB3] =	sst s9;
	s0 =	simm.s32 @!p0 $0x0  }
0x12: {  	s1 =	sld [smem:$0x3F99];
	s0 =	simm.s32 @p0 $0x1  }
0x13: {  	[smem:$0x3FB4] =	sst s0;
	s0 =	simm.s32 @!p1 $0x0  }
0x14: {  	s2 =	sld [smem:$0x3F98];
	s0 =	simm.s32 @p1 $0x1  }
0x15: {  	[smem:$0x3FB5] =	sst s0;
	s0 =	simm.s32 @!p2 $0x0  }
0x16: {  	s3 =	sld [smem:$0x3FDB];
	s0 =	simm.s32 @p2 $0x1  }
0x17: {  	s4 =	simm.s32 $0x1BF5;
	[smem:$0x3FB7] =	sst s0  }
0x18: {  	s0 =	sld [smem:$0x3F9A];
	_ =	swait.ge [sflag:s4], $0x0  }
0x19: {  	s7 =	sld [smem:$0x3F9B]  }
0x1a: {  	s8 =	sadd.s32 $0xFFFFE003, lr  }
0x1b: {  	s9 =	sadd.s32 $0xFFFFFEF7, lr;
	s5 =	simm.s32 $0xFFFFFFFF;
	p2 =	slt.u32 s8, $0xFFFFF086  }
0x1c: {  	p1 =	slt.u32 s9, $0xF7A;
	s5 =	simm.s32 @!p2 $0x0  }
0x1d: {  	s5 =	simm.s32 @p1 $0x1;
	p0 =	seq.s32 s7, s2  }
0x1e: {  	s7 =	smul.u32 @!p0 $0xF7A, s2;
	p2 =	seq.s32 @!p0 s5, $0x0  }
0x1f: {  	s9 =	smul.u32 $0xF7A, s1;
	s8 =	simm.s32 @!p0 $0x1BF5;
	p2 =	por !p2, p0  }
0x20: {  	[sflag:s8] =	ssyncset.s32 @!p0 $0xFFFFF086;
	s6 =	sadd.s32 @!p0 s3, s7;
	s7 =	simm.s32 @!p0 $0x108  }
0x21: {  	s3 =	sadd.s32 s3, s9;
	s6 =	sadd.s32 @!p0 $0x88, s6;
	s7 =	simm.s32 @p2 $0x1082  }
0x22: {  	[simem:s7], [sflag:s8] =	dma.local @!p0 [hbm:s6], $0xF7A  }
0x23: {  	s9 =	sor.u32 $0xD0000000, s2;
	s6 =	simm.s32 $0x108;
	_ =	swait.ge @!p0 [sflag:s8], $0x0  }
0x24: {  	s3 =	sadd.s32 $0x88, s3;
	s6 =	simm.s32 @!p1 $0x1082;
	[sflag:s4] =	ssyncset.s32 $0xFFFFF086  }
0x25: {  	[simem:s6], [sflag:s4] =	dma.local [hbm:s3], $0xF7A  }
0x26: {  	[smem:$0x3F9B] =	sst s1;
	(tag) =	ssettag s2;
	_ =	strace s9  }
0x27: {  	s1 =	sld [smem:$0x3FAB]  }
0x28: {  	s2 =	sld [smem:$0x3FAC]  }
0x29: {  	s4 =	sld [smem:$0x3FAE]  }
0x2a: {  	p0 =	seq.s32 s5, $0x0;
	s5 =	sld [smem:$0x3FAF]  }
0x2b: {  	s6 =	sld [smem:$0x3FB0]  }
0x2c: {  	s7 =	sld [smem:$0x3FB1]  }
0x2d: {  	s3 =	simm.s32 $0x108;
	s8 =	sld [smem:$0x3FB2]  }
0x2e: {  	s3 =	simm.s32 @!p0 $0x1082;
	s9 =	sld [smem:$0x3FB3]  }
0x2f: {  	lr =	sadd.s32 s0, s3;
	s0 =	sld [smem:$0x3FAA]  }
0x30: {  	s3 =	sld [smem:$0x3FAD]  }
0x31: {  	[smem:$0x3FB6] =	sst s10  }
0x32: {  	s10 =	sld [smem:$0x3FB4];
	_ =	sdelay $0x3  }
0x33: {  	p0 =	seq.s32 s10, $0x1;
	s10 =	sld [smem:$0x3FB6];
	_ =	sdelay $0x3  }
0x34: {  	[smem:$0x3FB6] =	sst s10  }
0x35: {  	s10 =	sld [smem:$0x3FB5];
	_ =	sdelay $0x3  }
0x36: {  	p1 =	seq.s32 s10, $0x1;
	s10 =	sld [smem:$0x3FB6];
	_ =	sdelay $0x3  }
0x37: {  	[smem:$0x3FB6] =	sst s10  }
0x38: {  	s10 =	sld [smem:$0x3FB7]  }
0x39: {  	_ = 	snop;
	(pc) =	sbr.ind lr, $3  }
0x3a: {  	_ = 	snop  }
0x3b: {  	_ = 	snop  }
0x3c: {  	p2 =	seq.s32 s10, $0x1;
	s10 =	sld [smem:$0x3FB6]  }
0x3d: {  	_ =	shalt  }
0x3e: {  	_ =	shalt  }
0x3f: {  	_ =	shalt  }
0x40: {  	_ =	shalt  }
0x41: {  	_ =	shalt  }
0x42: {  	_ =	shalt  }
0x43: {  	_ =	shalt  }
0x44: {  	_ =	shalt  }
0x45: {  	_ =	shalt  }
0x46: {  	_ =	shalt  }
0x47: {  	_ =	shalt  }
0x48: {  	_ =	shalt  }
0x49: {  	_ =	shalt  }
0x4a: {  	_ =	shalt  }
0x4b: {  	_ =	shalt  }
0x4c: {  	_ =	shalt  }
0x4d: {  	_ =	shalt  }
0x4e: {  	_ =	shalt  }
0x4f: {  	_ =	shalt  }
0x50: {  	_ =	shalt  }
0x51: {  	_ =	shalt  }
0x52: {  	_ =	shalt  }
0x53: {  	_ =	shalt  }
0x54: {  	_ =	shalt  }
0x55: {  	_ =	shalt  }
0x56: {  	_ =	shalt  }
0x57: {  	_ =	shalt  }
0x58: {  	_ =	shalt  }
0x59: {  	_ =	shalt  }
0x5a: {  	_ =	shalt  }
0x5b: {  	_ =	shalt  }
0x5c: {  	_ =	shalt  }
0x5d: {  	_ =	shalt  }
0x5e: {  	_ =	shalt  }
0x5f: {  	_ =	shalt  }
0x60: {  	_ =	shalt  }
0x61: {  	_ =	shalt  }
0x62: {  	_ =	shalt  }
0x63: {  	_ =	shalt  }
0x64: {  	_ =	shalt  }
0x65: {  	_ =	shalt  }
0x66: {  	_ =	shalt  }
0x67: {  	_ =	shalt  }
0x68: {  	_ =	shalt  }
0x69: {  	_ =	shalt  }
0x6a: {  	_ =	shalt  }
0x6b: {  	_ =	shalt  }
0x6c: {  	_ =	shalt  }
0x6d: {  	_ =	shalt  }
0x6e: {  	_ =	shalt  }
0x6f: {  	_ =	shalt  }
0x70: {  	_ =	shalt  }
0x71: {  	_ =	shalt  }
0x72: {  	_ =	shalt  }
0x73: {  	_ =	shalt  }
0x74: {  	_ =	shalt  }
0x75: {  	_ =	shalt  }
0x76: {  	_ =	shalt  }
0x77: {  	_ =	shalt  }
0x78: {  	_ =	shalt  }
0x79: {  	_ =	shalt  }
0x7a: {  	_ =	shalt  }
0x7b: {  	_ =	shalt  }
0x7c: {  	_ =	shalt  }
0x7d: {  	_ =	shalt  }
0x7e: {  	_ =	shalt  }
0x7f: {  	_ =	shalt  }
0x80: {  	_ =	shalt  }
0x81: {  	_ =	shalt  }
0x82: {  	_ =	shalt  }
0x83: {  	_ =	shalt  }
0x84: {  	_ =	shalt  }
0x85: {  	_ =	shalt  }
0x86: {  	_ =	shalt  }
0x87: {  	_ =	shalt  }
.Lfunc_end0:
.L_simem_size_0:
called_computation_lowered:
.L_overlay_start_0:
0x88: {  	s2 =	sld [smem:$0x3FD9]  }
0x89: {  	s3 =	sld [smem:$0x3FFE];
	_ =	sdelay $0x1  }
0x8a: {  	s1 =	srdreg.scid  }
0x8b: {  	s0 =	sand.u32 $0x1, s1  }
0x8c: {  	s17 =	sshll.u32 s0, $0xA;
	s2 =	sadd.s32 s3, s2  }
0x8d: {  	s2 =	sadd.s32 s2, s17  }
0x8e: {  	[smem:$0x3FC2] =	sst s2  }
0x8f: {  	_ = 	snop  }
0x90: {  	s2 =	sld [smem:$0x3FD0];
	(tm) =	ssettm $0x1  }
0x91: {  	s18 =	sld [smem:$0x3FFB];
	_ =	sdelay $0x3  }
0x92: {  	_ =	strace s18  }
0x93: {  	s3 =	sld [smem:$0x3FFC];
	_ =	sdelay $0x3  }
0x94: {  	_ =	strace s3  }
0x95: {  	s3 =	sld [smem:$0x3FFD];
	_ =	sdelay $0x3  }
0x96: {  	_ =	strace s3  }
0x97: {  	_ =	strace $0x8FFFFFFF  }
0x98: {  	s19 =	sld [smem:$0x3FDB];
	_ =	sdelay $0x1  }
0x99: {  	s4 =	simm.s32 $_scs_section_size  }
0x9a: {  	s5 =	simm.s32 $_size__tile_overlayer_lowered;
	s6 =	simm.s32 $_tile_overlayer_lowered  }
0x9b: {  	s22 =	simm.s32 $0x1BFF;
	s21 =	sshll.u32 s6, $0x1;
	s3 =	sadd.s32 s4, s19  }
0x9c: {  	s7 =	simm.s32 $0x0;
	s20 =	sshll.u32 s5, $0x1;
	s5 =	sadd.s32 s21, s3  }
0x9d: {  	[timem:s7], [sflag:s22] =	dma.local [hbm:s5], s20  }
0x9e: {  	_ =	swait.ge [sflag:s22], s20  }
0x9f: {  	s4 =	ssub.s32 $0x0, s20;
	[sflag:s22] =	ssyncset.done $0x0  }
0xa0: {  	[sflag:s22] =	ssyncadd.s32 s4;
	_ =	sdelay $0x1  }
0xa1: {  	s23 =	simm.s32 $0x1B8B  }
0xa2: {  	_ =	swait.ge [sflag:s23], $0x1  }
0xa3: {  	[sflag:s23] =	ssyncset.done $0x0  }
0xa4: {  	s25 =	simm.s32 $0x1B8E;
	s24 =	sld [smem:$0x3FFE];
	[sflag:s23] =	ssyncadd.s32 $0xFFFFFFFF  }
0xa5: {  	s26 =	simm.s32 $execute0_lowered;
	[smem:$0x3FD2] =	sst s25  }
0xa6: {  	s5 =	sshll.u32 s26, $0x1;
	_ =	strace $0x80000046;
	[dreg:$0x1] =	wrdreg $0xFFFFFFFF  }
0xa7: {  	s28 =	simm.s32 $_size_execute0_lowered;
	s3 =	sadd.s32 s3, s5;
	[dreg:$0x0] =	wrdreg $0x0  }
0xa8: {  	s5 =	sshll.u32 s28, $0x1;
	[dreg:$0x2] =	wrdreg s3  }
0xa9: {  	[dreg:$0x3] =	wrdreg s5  }
0xaa: {  	[dreg:$0x4] =	wrdreg $0xC0  }
0xab: {  	_ =	task [dreg:s7], $0x5FFFF  }
0xac: {  	[dreg:$0x1] =	wrdreg $0xFFFFFFFF  }
0xad: {  	[dreg:$0x0] =	wrdreg $0x60  }
0xae: {  	[dreg:$0x2] =	wrdreg s2  }
0xaf: {  	[dreg:$0x3] =	wrdreg s24  }
0xb0: {  	[dreg:$0x4] =	wrdreg $0x9  }
0xb1: {  	_ =	task.clear_ibuf [dreg:s7], $0x5FFFF;
	_ =	strace $0x90000046  }
0xb2: {  	s29 =	simm.s32 $0x9;
	_ =	strace $0x80000048  }
0xb3: {  	_ =	swait.ge [sflag:s29], $0x1  }
0xb4: {  	[sflag:s29] =	ssyncadd.s32 $0xFFFFFFFF  }
0xb5: {  	_ =	strace $0x90000048  }
0xb6: {  	_ =	sfence  }
0xb7: {  	s30 =	sld [smem:$0x0];
	_ =	sdelay $0x2  }
0xb8: {  	s31 =	sshll.u32 s1, $0xD;
	s1 =	sshrl.u32 s1, $0x2  }
0xb9: {  	s3 =	sand.u32 $0x4000, s31;
	s1 =	sadd.s32 s1, s30  }
0xba: {  	s0 =	sor.u32 s3, s0;
	s1 =	sshll.u32 s1, $0x11  }
0xbb: {  	s0 =	sor.u32 s1, s0  }
0xbc: {  	s0 =	sadd.s32 $0x8F2B, s0  }
0xbd: {  	[sflag:s0] =	ssyncadd.remote.s32 $0x1  }
0xbe: {  	_ =	sfence.sel $0xFFFF  }
0xbf: {  	[dreg:$0x0] =	wrdreg $0xFFFFFFFF;
	(pc) =	sbr.abs _section_cstart, $3  }
0xc0: {  	[dreg:$0x1] =	wrdreg $0xFFFFFFFF  }
0xc1: {  	_ =	task.clear_ibuf [dreg:s7], $0x2FFFF;
	_ =	strace $0x9FFFFFFF  }
0xc2: {  	(tm) =	ssettm $0x7FFFFFFF  }
0xc3: {  	_ =	shalt  }
tec
execute0_lowered:
.L_overlay_start_1:
0x0: {  	(tag) =	ssettag $0x1  }
0x1: {  	s0 =	srdreg.scid  }
0x2: {  	s2 =	stileid.u32;
	s1 =	rddreg [dreg:$0x0]  }
0x3: {  	s4 =	rddreg [dreg:$0x1];
	s26 =	simm.s32 $0x80;
	s14 =	simm.s32 $0x100  }
0x4: {  	s18 =	simm.s32 $0x1900;
	s19 =	simm.s32 $0x2100;
	s20 =	simm.s32 $0x2900  }
0x5: {  	s21 =	simm.s32 $0x3100;
	s22 =	simm.s32 $0x3900;
	s23 =	simm.s32 $0x4100  }
0x6: {  	s24 =	simm.s32 $0x4900;
	s28 =	simm.s32 $0x6100;
	s29 =	simm.s32 $0x6900  }
0x7: {  	s30 =	simm.s32 $0x7100;
	s31 =	simm.s32 $0x7900;
	s8 =	simm.s32 $0x9100  }
0x8: {  	s9 =	simm.s32 $0x9900;
	s10 =	simm.s32 $0xA100;
	s11 =	simm.s32 $0xA900  }
0x9: {  	s12 =	simm.s32 $0xB100;
	s13 =	simm.s32 $0xB900;
	s0 =	sand.u32 $0x1, s0  }
0xa: {  	s7 =	simm.s32 $0xC100;
	s2 =	sshll.u32 s2, $0x8;
	s3 =	sshll.u32 s0, $0x7  }
0xb: {  	s15 =	simm.s32 $0xC900;
	s0 =	ssub.s32 $0x2, s0;
	s3 =	sor.u32 s3, s2  }
0xc: {  	s2 =	simm.s32 $0x0;
	s25 =	sshrl.u32 s0, $0x1;
	s5 =	sshrl.u32 s3, $0x3  }
0xd: {  	[smem:$0x7FF] =	sst s2;
	s3 =	sshll.u32 s3, $0x6;
	s0 =	ssub.s32 s0, s25  }
0xe: {  	s25 =	simm.s32 $0x5100;
	s5 =	sadd.s32 s5, s4;
	_ =	strace $0x80000047  }
0xf: {  	s1 =	sadd.s32 s1, s3;
	s3 =	sadd.s32 $0x11200, s4;
	[dreg:$0x6] =	wrdreg s26  }
0x10: {  	v2 =	vlaneseq.u32;
	s4 =	sadd.s32 $0x11300, s4;
	s6 =	sadd.s32 $0x10E00, s5;
	[dreg:$0x5] =	wrdreg s1  }
0x11: {  	vm0 =	vmmov $0xffff;
	v1 =	vshrl.u32 v2, $0x3;
	s26 =	simm.s32 $0x5900;
	s5 =	sadd.s32 $0x11000, s5;
	[dreg:$0x3] =	wrdreg s6  }
0x12: {  	v0 =	vand.u32 $0x7, v2;
	v2 =	vor.u32 $0x8, v2;
	v1 =	vmul.u32 $0x8, v1;
	[dreg:$0x4] =	wrdreg s5;
	s5 =	smax.u32 s0, $0x1;
	s6 =	simm.s32 $0x3  }
.LBB2_1:
0x13: {  	s16 =	rddreg [dreg:$0x3]  }
0x14: {  	[tilespmem:s2], [sflag:$0x3] =	stream.linear.gather [hbm4b:s16+s2], $0x80, $0x38;
	[tilespmem:$0x10100] =	vst v63  }
0x15: {  	_ =	swait.ge [sflag:s6], $0x80  }
0x16: {  	s0 =	rddreg [dreg:$0x4];
	[sflag:s6] =	ssyncset.done $0x0  }
0x17: {  	s17 =	rddreg [dreg:$0x6];
	[sflag:s6] =	ssyncadd.s32 $0xFFFFFF80  }
0x18: {  	[tilespmem:s17], [sflag:$0x3] =	stream.linear.gather [hbm4b:s0+s2], $0x80, $0x38;
	[tilespmem:$0x10100] =	vst v63  }
0x19: {  	_ =	swait.ge [sflag:s6], $0x80  }
0x1a: {  	[sflag:s6] =	ssyncset.done $0x0  }
0x1b: {  	s1 =	rddreg [dreg:$0x5];
	[sflag:s6] =	ssyncadd.s32 $0xFFFFFF80  }
0x1c: {  	[tilespmem:s14], [sflag:$0x3] =	stream.linear.gather [hbm4b:s1+s2], $0x10000, $0x38;
	[tilespmem:$0x10100] =	vst v63  }
0x1d: {  	_ =	swait.ge [sflag:s6], $0x10000  }
0x1e: {  	[sflag:s6] =	ssyncset.done $0x0  }
0x1f: {  	[sflag:s6] =	ssyncadd.s32 $0xFFFF0000  }
0x20: {  	v3 =	vld [tilespmem:$0x0];
	_ =	sdelay $0x4  }
0x21: {  	v4 =	vshll.u32 v3, $0x2  }
0x22: {  	v3 =	vand.u32 $0x7, v3;
	v4 =	vand.u32 $0xFFFFFFE0, v4  }
0x23: {  	v3 =	vor.u32 v3, v4  }
0x24: {  	v4 =	vperm.xlane v3, v0;
	_ =	sdelay $0x1  }
0x25: {  	v4 =	vadd.s32 v1, v4;
	_ =	sdelay $0x1  }
0x26: {  	v3 =	vperm.xlane v3, v2;
	_ =	sdelay $0x1  }
0x27: {  	v3 =	vadd.s32 v1, v3  }
0x28: {  	[hbm4b:s3+s2] =	stream.indirect_vreg.scatter [tilespmem:s14], [sflag:$0x1], $0x80, v4, vm0, $0xb8;
	[tilespmem:$0x10100] =	vst v63  }
0x29: {  	s16 =	simm.s32 $0x900  }
0x2a: {  	[hbm4b:s4+s2] =	stream.indirect_vreg.scatter [tilespmem:s16], [sflag:$0x1], $0x80, v4, vm0, $0xb8;
	[tilespmem:$0x10100] =	vst v63  }
0x2b: {  	s17 =	simm.s32 $0x1100  }
0x2c: {  	[hbm4b:s3+s2] =	stream.indirect_vreg.scatter [tilespmem:s17], [sflag:$0x1], $0x80, v3, vm0, $0xb8;
	[tilespmem:$0x10100] =	vst v63  }
0x2d: {  	_ = 	snop  }
0x2e: {  	[hbm4b:s4+s2] =	stream.indirect_vreg.scatter [tilespmem:s18], [sflag:$0x1], $0x80, v3, vm0, $0xb8;
	[tilespmem:$0x10100] =	vst v63  }
0x2f: {  	v3 =	vld [tilespmem:$0x10];
	_ =	sdelay $0x4  }
0x30: {  	v49 =	vshll.u32 v3, $0x2  }
0x31: {  	v3 =	vand.u32 $0x7, v3;
	v4 =	vand.u32 $0xFFFFFFE0, v49  }
0x32: {  	v3 =	vor.u32 v3, v4  }
0x33: {  	v4 =	vperm.xlane v3, v0;
	_ =	sdelay $0x1  }
0x34: {  	v4 =	vadd.s32 v1, v4;
	_ =	sdelay $0x1  }
0x35: {  	v3 =	vperm.xlane v3, v2;
	_ =	sdelay $0x1  }
0x36: {  	v3 =	vadd.s32 v1, v3  }
0x37: {  	[hbm4b:s3+s2] =	stream.indirect_vreg.scatter [tilespmem:s19], [sflag:$0x1], $0x80, v4, vm0, $0xb8;
	[tilespmem:$0x10100] =	vst v63  }
0x38: {  	_ = 	snop  }
0x39: {  	[hbm4b:s4+s2] =	stream.indirect_vreg.scatter [tilespmem:s20], [sflag:$0x1], $0x80, v4, vm0, $0xb8;
	[tilespmem:$0x10100] =	vst v63  }
0x3a: {  	_ = 	snop  }
0x3b: {  	[hbm4b:s3+s2] =	stream.indirect_vreg.scatter [tilespmem:s21], [sflag:$0x1], $0x80, v3, vm0, $0xb8;
	[tilespmem:$0x10100] =	vst v63  }
0x3c: {  	_ = 	snop  }
0x3d: {  	[hbm4b:s4+s2] =	stream.indirect_vreg.scatter [tilespmem:s22], [sflag:$0x1], $0x80, v3, vm0, $0xb8;
	[tilespmem:$0x10100] =	vst v63  }
0x3e: {  	v3 =	vld [tilespmem:$0x20];
	_ =	sdelay $0x4  }
0x3f: {  	v50 =	vshll.u32 v3, $0x2  }
0x40: {  	v3 =	vand.u32 $0x7, v3;
	v4 =	vand.u32 $0xFFFFFFE0, v50  }
0x41: {  	v3 =	vor.u32 v3, v4  }
0x42: {  	v4 =	vperm.xlane v3, v0;
	_ =	sdelay $0x1  }
0x43: {  	v4 =	vadd.s32 v1, v4;
	_ =	sdelay $0x1  }
0x44: {  	v3 =	vperm.xlane v3, v2;
	_ =	sdelay $0x1  }
0x45: {  	v3 =	vadd.s32 v1, v3  }
0x46: {  	[hbm4b:s3+s2] =	stream.indirect_vreg.scatter [tilespmem:s23], [sflag:$0x1], $0x80, v4, vm0, $0xb8;
	[tilespmem:$0x10100] =	vst v63  }
0x47: {  	_ = 	snop  }
0x48: {  	[hbm4b:s4+s2] =	stream.indirect_vreg.scatter [tilespmem:s24], [sflag:$0x1], $0x80, v4, vm0, $0xb8;
	[tilespmem:$0x10100] =	vst v63  }
0x49: {  	_ = 	snop  }
0x4a: {  	[hbm4b:s3+s2] =	stream.indirect_vreg.scatter [tilespmem:s25], [sflag:$0x1], $0x80, v3, vm0, $0xb8;
	[tilespmem:$0x10100] =	vst v63  }
0x4b: {  	_ = 	snop  }
0x4c: {  	[hbm4b:s4+s2] =	stream.indirect_vreg.scatter [tilespmem:s26], [sflag:$0x1], $0x80, v3, vm0, $0xb8;
	[tilespmem:$0x10100] =	vst v63  }
0x4d: {  	v3 =	vld [tilespmem:$0x30];
	_ =	sdelay $0x4  }
0x4e: {  	v51 =	vshll.u32 v3, $0x2  }
0x4f: {  	v3 =	vand.u32 $0x7, v3;
	v4 =	vand.u32 $0xFFFFFFE0, v51  }
0x50: {  	v3 =	vor.u32 v3, v4  }
0x51: {  	v4 =	vperm.xlane v3, v0;
	_ =	sdelay $0x1  }
0x52: {  	v4 =	vadd.s32 v1, v4;
	_ =	sdelay $0x1  }
0x53: {  	v3 =	vperm.xlane v3, v2;
	_ =	sdelay $0x1  }
0x54: {  	v3 =	vadd.s32 v1, v3  }
0x55: {  	[hbm4b:s3+s2] =	stream.indirect_vreg.scatter [tilespmem:s28], [sflag:$0x1], $0x80, v4, vm0, $0xb8;
	[tilespmem:$0x10100] =	vst v63  }
0x56: {  	_ = 	snop  }
0x57: {  	[hbm4b:s4+s2] =	stream.indirect_vreg.scatter [tilespmem:s29], [sflag:$0x1], $0x80, v4, vm0, $0xb8;
	[tilespmem:$0x10100] =	vst v63  }
0x58: {  	_ = 	snop  }
0x59: {  	[hbm4b:s3+s2] =	stream.indirect_vreg.scatter [tilespmem:s30], [sflag:$0x1], $0x80, v3, vm0, $0xb8;
	[tilespmem:$0x10100] =	vst v63  }
0x5a: {  	_ = 	snop  }
0x5b: {  	[hbm4b:s4+s2] =	stream.indirect_vreg.scatter [tilespmem:s31], [sflag:$0x1], $0x80, v3, vm0, $0xb8;
	[tilespmem:$0x10100] =	vst v63  }
0x5c: {  	v3 =	vld [tilespmem:$0x40];
	_ =	sdelay $0x4  }
0x5d: {  	v52 =	vshll.u32 v3, $0x2  }
0x5e: {  	v3 =	vand.u32 $0x7, v3;
	v4 =	vand.u32 $0xFFFFFFE0, v52  }
0x5f: {  	v3 =	vor.u32 v3, v4  }
0x60: {  	v4 =	vperm.xlane v3, v0;
	_ =	sdelay $0x1  }
0x61: {  	v4 =	vadd.s32 v1, v4;
	_ =	sdelay $0x1  }
0x62: {  	v3 =	vperm.xlane v3, v2;
	_ =	sdelay $0x1  }
0x63: {  	s1 =	simm.s32 $0x8100;
	v3 =	vadd.s32 v1, v3  }
0x64: {  	[hbm4b:s3+s2] =	stream.indirect_vreg.scatter [tilespmem:s1], [sflag:$0x1], $0x80, v4, vm0, $0xb8;
	[tilespmem:$0x10100] =	vst v63  }
0x65: {  	s0 =	simm.s32 $0x8900  }
0x66: {  	[hbm4b:s4+s2] =	stream.indirect_vreg.scatter [tilespmem:s0], [sflag:$0x1], $0x80, v4, vm0, $0xb8;
	[tilespmem:$0x10100] =	vst v63  }
0x67: {  	_ = 	snop  }
0x68: {  	[hbm4b:s3+s2] =	stream.indirect_vreg.scatter [tilespmem:s8], [sflag:$0x1], $0x80, v3, vm0, $0xb8;
	[tilespmem:$0x10100] =	vst v63  }
0x69: {  	_ = 	snop  }
0x6a: {  	[hbm4b:s4+s2] =	stream.indirect_vreg.scatter [tilespmem:s9], [sflag:$0x1], $0x80, v3, vm0, $0xb8;
	[tilespmem:$0x10100] =	vst v63  }
0x6b: {  	v3 =	vld [tilespmem:$0x50];
	_ =	sdelay $0x4  }
0x6c: {  	v53 =	vshll.u32 v3, $0x2  }
0x6d: {  	v3 =	vand.u32 $0x7, v3;
	v4 =	vand.u32 $0xFFFFFFE0, v53  }
0x6e: {  	v3 =	vor.u32 v3, v4  }
0x6f: {  	v4 =	vperm.xlane v3, v0;
	_ =	sdelay $0x1  }
0x70: {  	v4 =	vadd.s32 v1, v4;
	_ =	sdelay $0x1  }
0x71: {  	v3 =	vperm.xlane v3, v2;
	_ =	sdelay $0x1  }
0x72: {  	v3 =	vadd.s32 v1, v3  }
0x73: {  	[hbm4b:s3+s2] =	stream.indirect_vreg.scatter [tilespmem:s10], [sflag:$0x1], $0x80, v4, vm0, $0xb8;
	[tilespmem:$0x10100] =	vst v63  }
0x74: {  	_ = 	snop  }
0x75: {  	[hbm4b:s4+s2] =	stream.indirect_vreg.scatter [tilespmem:s11], [sflag:$0x1], $0x80, v4, vm0, $0xb8;
	[tilespmem:$0x10100] =	vst v63  }
0x76: {  	_ = 	snop  }
0x77: {  	[hbm4b:s3+s2] =	stream.indirect_vreg.scatter [tilespmem:s12], [sflag:$0x1], $0x80, v3, vm0, $0xb8;
	[tilespmem:$0x10100] =	vst v63  }
0x78: {  	_ = 	snop  }
0x79: {  	[hbm4b:s4+s2] =	stream.indirect_vreg.scatter [tilespmem:s13], [sflag:$0x1], $0x80, v3, vm0, $0xb8;
	[tilespmem:$0x10100] =	vst v63  }
0x7a: {  	v3 =	vld [tilespmem:$0x60];
	_ =	sdelay $0x4  }
0x7b: {  	v54 =	vshll.u32 v3, $0x2  }
0x7c: {  	v3 =	vand.u32 $0x7, v3;
	v4 =	vand.u32 $0xFFFFFFE0, v54  }
0x7d: {  	v3 =	vor.u32 v3, v4  }
0x7e: {  	v4 =	vperm.xlane v3, v0;
	_ =	sdelay $0x1  }
0x7f: {  	v4 =	vadd.s32 v1, v4;
	_ =	sdelay $0x1  }
0x80: {  	v3 =	vperm.xlane v3, v2;
	_ =	sdelay $0x1  }
0x81: {  	v3 =	vadd.s32 v1, v3  }
0x82: {  	[hbm4b:s3+s2] =	stream.indirect_vreg.scatter [tilespmem:s7], [sflag:$0x1], $0x80, v4, vm0, $0xb8;
	[tilespmem:$0x10100] =	vst v63  }
0x83: {  	_ = 	snop  }
0x84: {  	[hbm4b:s4+s2] =	stream.indirect_vreg.scatter [tilespmem:s15], [sflag:$0x1], $0x80, v4, vm0, $0xb8;
	[tilespmem:$0x10100] =	vst v63  }
0x85: {  	s0 =	simm.s32 $0xD100  }
0x86: {  	[hbm4b:s3+s2] =	stream.indirect_vreg.scatter [tilespmem:s0], [sflag:$0x1], $0x80, v3, vm0, $0xb8;
	[tilespmem:$0x10100] =	vst v63  }
0x87: {  	s0 =	simm.s32 $0xD900  }
0x88: {  	[hbm4b:s4+s2] =	stream.indirect_vreg.scatter [tilespmem:s0], [sflag:$0x1], $0x80, v3, vm0, $0xb8;
	[tilespmem:$0x10100] =	vst v63  }
0x89: {  	v3 =	vld [tilespmem:$0x70];
	_ =	sdelay $0x4  }
0x8a: {  	v55 =	vshll.u32 v3, $0x2  }
0x8b: {  	v3 =	vand.u32 $0x7, v3;
	v4 =	vand.u32 $0xFFFFFFE0, v55  }
0x8c: {  	v3 =	vor.u32 v3, v4  }
0x8d: {  	v4 =	vperm.xlane v3, v0;
	_ =	sdelay $0x1  }
0x8e: {  	v4 =	vadd.s32 v1, v4;
	_ =	sdelay $0x1  }
0x8f: {  	v3 =	vperm.xlane v3, v2;
	_ =	sdelay $0x1  }
0x90: {  	s0 =	simm.s32 $0xE100;
	v3 =	vadd.s32 v1, v3  }
0x91: {  	[hbm4b:s3+s2] =	stream.indirect_vreg.scatter [tilespmem:s0], [sflag:$0x1], $0x80, v4, vm0, $0xb8;
	[tilespmem:$0x10100] =	vst v63  }
0x92: {  	s0 =	simm.s32 $0xE900  }
0x93: {  	[hbm4b:s4+s2] =	stream.indirect_vreg.scatter [tilespmem:s0], [sflag:$0x1], $0x80, v4, vm0, $0xb8;
	[tilespmem:$0x10100] =	vst v63  }
0x94: {  	s0 =	simm.s32 $0xF100  }
0x95: {  	[hbm4b:s3+s2] =	stream.indirect_vreg.scatter [tilespmem:s0], [sflag:$0x1], $0x80, v3, vm0, $0xb8;
	[tilespmem:$0x10100] =	vst v63  }
0x96: {  	s0 =	simm.s32 $0xF900  }
0x97: {  	[hbm4b:s4+s2] =	stream.indirect_vreg.scatter [tilespmem:s0], [sflag:$0x1], $0x80, v3, vm0, $0xb8;
	[tilespmem:$0x10100] =	vst v63  }
0x98: {  	v3 =	vld [tilespmem:$0x80];
	_ =	sdelay $0x4  }
0x99: {  	v56 =	vshll.u32 v3, $0x2  }
0x9a: {  	v3 =	vand.u32 $0x7, v3;
	v4 =	vand.u32 $0xFFFFFFE0, v56  }
0x9b: {  	v3 =	vor.u32 v3, v4  }
0x9c: {  	v4 =	vperm.xlane v3, v0;
	_ =	sdelay $0x1  }
0x9d: {  	v4 =	vadd.s32 v1, v4;
	_ =	sdelay $0x1  }
0x9e: {  	v3 =	vperm.xlane v3, v2;
	_ =	sdelay $0x1  }
0x9f: {  	v3 =	vadd.s32 v1, v3  }
0xa0: {  	[hbm4b:s3+s2] =	stream.indirect_vreg.scatter [tilespmem:s14], [sflag:$0x2], $0x80, v4, vm0, $0xb8;
	[tilespmem:$0x10100] =	vst v63  }
0xa1: {  	_ = 	snop  }
0xa2: {  	[hbm4b:s4+s2] =	stream.indirect_vreg.scatter [tilespmem:s16], [sflag:$0x2], $0x80, v4, vm0, $0xb8;
	[tilespmem:$0x10100] =	vst v63  }
0xa3: {  	_ = 	snop  }
0xa4: {  	[hbm4b:s3+s2] =	stream.indirect_vreg.scatter [tilespmem:s17], [sflag:$0x2], $0x80, v3, vm0, $0xb8;
	[tilespmem:$0x10100] =	vst v63  }
0xa5: {  	_ = 	snop  }
0xa6: {  	[hbm4b:s4+s2] =	stream.indirect_vreg.scatter [tilespmem:s18], [sflag:$0x2], $0x80, v3, vm0, $0xb8;
	[tilespmem:$0x10100] =	vst v63  }
0xa7: {  	v3 =	vld [tilespmem:$0x90];
	_ =	sdelay $0x4  }
0xa8: {  	v57 =	vshll.u32 v3, $0x2  }
0xa9: {  	v3 =	vand.u32 $0x7, v3;
	v4 =	vand.u32 $0xFFFFFFE0, v57  }
0xaa: {  	v3 =	vor.u32 v3, v4  }
0xab: {  	v4 =	vperm.xlane v3, v0;
	_ =	sdelay $0x1  }
0xac: {  	v4 =	vadd.s32 v1, v4;
	_ =	sdelay $0x1  }
0xad: {  	v3 =	vperm.xlane v3, v2;
	_ =	sdelay $0x1  }
0xae: {  	v3 =	vadd.s32 v1, v3  }
0xaf: {  	[hbm4b:s3+s2] =	stream.indirect_vreg.scatter [tilespmem:s19], [sflag:$0x2], $0x80, v4, vm0, $0xb8;
	[tilespmem:$0x10100] =	vst v63  }
0xb0: {  	_ = 	snop  }
0xb1: {  	[hbm4b:s4+s2] =	stream.indirect_vreg.scatter [tilespmem:s20], [sflag:$0x2], $0x80, v4, vm0, $0xb8;
	[tilespmem:$0x10100] =	vst v63  }
0xb2: {  	_ = 	snop  }
0xb3: {  	[hbm4b:s3+s2] =	stream.indirect_vreg.scatter [tilespmem:s21], [sflag:$0x2], $0x80, v3, vm0, $0xb8;
	[tilespmem:$0x10100] =	vst v63  }
0xb4: {  	_ = 	snop  }
0xb5: {  	[hbm4b:s4+s2] =	stream.indirect_vreg.scatter [tilespmem:s22], [sflag:$0x2], $0x80, v3, vm0, $0xb8;
	[tilespmem:$0x10100] =	vst v63  }
0xb6: {  	v3 =	vld [tilespmem:$0xA0];
	_ =	sdelay $0x4  }
0xb7: {  	v58 =	vshll.u32 v3, $0x2  }
0xb8: {  	v3 =	vand.u32 $0x7, v3;
	v4 =	vand.u32 $0xFFFFFFE0, v58  }
0xb9: {  	v3 =	vor.u32 v3, v4  }
0xba: {  	v4 =	vperm.xlane v3, v0;
	_ =	sdelay $0x1  }
0xbb: {  	v4 =	vadd.s32 v1, v4;
	_ =	sdelay $0x1  }
0xbc: {  	v3 =	vperm.xlane v3, v2;
	_ =	sdelay $0x1  }
0xbd: {  	v3 =	vadd.s32 v1, v3  }
0xbe: {  	[hbm4b:s3+s2] =	stream.indirect_vreg.scatter [tilespmem:s23], [sflag:$0x2], $0x80, v4, vm0, $0xb8;
	[tilespmem:$0x10100] =	vst v63  }
0xbf: {  	_ = 	snop  }
0xc0: {  	[hbm4b:s4+s2] =	stream.indirect_vreg.scatter [tilespmem:s24], [sflag:$0x2], $0x80, v4, vm0, $0xb8;
	[tilespmem:$0x10100] =	vst v63  }
0xc1: {  	_ = 	snop  }
0xc2: {  	[hbm4b:s3+s2] =	stream.indirect_vreg.scatter [tilespmem:s25], [sflag:$0x2], $0x80, v3, vm0, $0xb8;
	[tilespmem:$0x10100] =	vst v63  }
0xc3: {  	_ = 	snop  }
0xc4: {  	[hbm4b:s4+s2] =	stream.indirect_vreg.scatter [tilespmem:s26], [sflag:$0x2], $0x80, v3, vm0, $0xb8;
	[tilespmem:$0x10100] =	vst v63  }
0xc5: {  	v3 =	vld [tilespmem:$0xB0];
	_ =	sdelay $0x4  }
0xc6: {  	v59 =	vshll.u32 v3, $0x2  }
0xc7: {  	v3 =	vand.u32 $0x7, v3;
	v4 =	vand.u32 $0xFFFFFFE0, v59  }
0xc8: {  	v3 =	vor.u32 v3, v4  }
0xc9: {  	v4 =	vperm.xlane v3, v0;
	_ =	sdelay $0x1  }
0xca: {  	v4 =	vadd.s32 v1, v4;
	_ =	sdelay $0x1  }
0xcb: {  	v3 =	vperm.xlane v3, v2;
	_ =	sdelay $0x1  }
0xcc: {  	v3 =	vadd.s32 v1, v3  }
0xcd: {  	[hbm4b:s3+s2] =	stream.indirect_vreg.scatter [tilespmem:s28], [sflag:$0x2], $0x80, v4, vm0, $0xb8;
	[tilespmem:$0x10100] =	vst v63  }
0xce: {  	_ = 	snop  }
0xcf: {  	[hbm4b:s4+s2] =	stream.indirect_vreg.scatter [tilespmem:s29], [sflag:$0x2], $0x80, v4, vm0, $0xb8;
	[tilespmem:$0x10100] =	vst v63  }
0xd0: {  	_ = 	snop  }
0xd1: {  	[hbm4b:s3+s2] =	stream.indirect_vreg.scatter [tilespmem:s30], [sflag:$0x2], $0x80, v3, vm0, $0xb8;
	[tilespmem:$0x10100] =	vst v63  }
0xd2: {  	_ = 	snop  }
0xd3: {  	[hbm4b:s4+s2] =	stream.indirect_vreg.scatter [tilespmem:s31], [sflag:$0x2], $0x80, v3, vm0, $0xb8;
	[tilespmem:$0x10100] =	vst v63  }
0xd4: {  	v3 =	vld [tilespmem:$0xC0];
	_ =	sdelay $0x4  }
0xd5: {  	v60 =	vshll.u32 v3, $0x2  }
0xd6: {  	v3 =	vand.u32 $0x7, v3;
	v4 =	vand.u32 $0xFFFFFFE0, v60  }
0xd7: {  	v3 =	vor.u32 v3, v4  }
0xd8: {  	v4 =	vperm.xlane v3, v0;
	_ =	sdelay $0x1  }
0xd9: {  	v4 =	vadd.s32 v1, v4;
	_ =	sdelay $0x1  }
0xda: {  	v3 =	vperm.xlane v3, v2;
	_ =	sdelay $0x1  }
0xdb: {  	v3 =	vadd.s32 v1, v3  }
0xdc: {  	[hbm4b:s3+s2] =	stream.indirect_vreg.scatter [tilespmem:s1], [sflag:$0x2], $0x80, v4, vm0, $0xb8;
	[tilespmem:$0x10100] =	vst v63  }
0xdd: {  	s16 =	simm.s32 $0x8900  }
0xde: {  	[hbm4b:s4+s2] =	stream.indirect_vreg.scatter [tilespmem:s16], [sflag:$0x2], $0x80, v4, vm0, $0xb8;
	[tilespmem:$0x10100] =	vst v63  }
0xdf: {  	_ = 	snop  }
0xe0: {  	[hbm4b:s3+s2] =	stream.indirect_vreg.scatter [tilespmem:s8], [sflag:$0x2], $0x80, v3, vm0, $0xb8;
	[tilespmem:$0x10100] =	vst v63  }
0xe1: {  	_ = 	snop  }
0xe2: {  	[hbm4b:s4+s2] =	stream.indirect_vreg.scatter [tilespmem:s9], [sflag:$0x2], $0x80, v3, vm0, $0xb8;
	[tilespmem:$0x10100] =	vst v63  }
0xe3: {  	v3 =	vld [tilespmem:$0xD0];
	_ =	sdelay $0x4  }
0xe4: {  	v61 =	vshll.u32 v3, $0x2  }
0xe5: {  	v3 =	vand.u32 $0x7, v3;
	v4 =	vand.u32 $0xFFFFFFE0, v61  }
0xe6: {  	v3 =	vor.u32 v3, v4  }
0xe7: {  	v4 =	vperm.xlane v3, v0;
	_ =	sdelay $0x1  }
0xe8: {  	v4 =	vadd.s32 v1, v4;
	_ =	sdelay $0x1  }
0xe9: {  	v3 =	vperm.xlane v3, v2;
	_ =	sdelay $0x1  }
0xea: {  	v3 =	vadd.s32 v1, v3  }
0xeb: {  	[hbm4b:s3+s2] =	stream.indirect_vreg.scatter [tilespmem:s10], [sflag:$0x2], $0x80, v4, vm0, $0xb8;
	[tilespmem:$0x10100] =	vst v63  }
0xec: {  	_ = 	snop  }
0xed: {  	[hbm4b:s4+s2] =	stream.indirect_vreg.scatter [tilespmem:s11], [sflag:$0x2], $0x80, v4, vm0, $0xb8;
	[tilespmem:$0x10100] =	vst v63  }
0xee: {  	_ = 	snop  }
0xef: {  	[hbm4b:s3+s2] =	stream.indirect_vreg.scatter [tilespmem:s12], [sflag:$0x2], $0x80, v3, vm0, $0xb8;
	[tilespmem:$0x10100] =	vst v63  }
0xf0: {  	_ = 	snop  }
0xf1: {  	[hbm4b:s4+s2] =	stream.indirect_vreg.scatter [tilespmem:s13], [sflag:$0x2], $0x80, v3, vm0, $0xb8;
	[tilespmem:$0x10100] =	vst v63  }
0xf2: {  	v3 =	vld [tilespmem:$0xE0];
	_ =	sdelay $0x4  }
0xf3: {  	v62 =	vshll.u32 v3, $0x2  }
0xf4: {  	v3 =	vand.u32 $0x7, v3;
	v4 =	vand.u32 $0xFFFFFFE0, v62  }
0xf5: {  	v3 =	vor.u32 v3, v4  }
0xf6: {  	v4 =	vperm.xlane v3, v0;
	_ =	sdelay $0x1  }
0xf7: {  	v4 =	vadd.s32 v1, v4;
	_ =	sdelay $0x1  }
0xf8: {  	v3 =	vperm.xlane v3, v2;
	_ =	sdelay $0x1  }
0xf9: {  	v3 =	vadd.s32 v1, v3  }
0xfa: {  	[hbm4b:s3+s2] =	stream.indirect_vreg.scatter [tilespmem:s7], [sflag:$0x2], $0x80, v4, vm0, $0xb8;
	[tilespmem:$0x10100] =	vst v63  }
0xfb: {  	_ = 	snop  }
0xfc: {  	[hbm4b:s4+s2] =	stream.indirect_vreg.scatter [tilespmem:s15], [sflag:$0x2], $0x80, v4, vm0, $0xb8;
	[tilespmem:$0x10100] =	vst v63  }
0xfd: {  	s17 =	simm.s32 $0xD100  }
0xfe: {  	[hbm4b:s3+s2] =	stream.indirect_vreg.scatter [tilespmem:s17], [sflag:$0x2], $0x80, v3, vm0, $0xb8;
	[tilespmem:$0x10100] =	vst v63  }
0xff: {  	s16 =	simm.s32 $0xD900  }
0x100: {  	[hbm4b:s4+s2] =	stream.indirect_vreg.scatter [tilespmem:s16], [sflag:$0x2], $0x80, v3, vm0, $0xb8;
	[tilespmem:$0x10100] =	vst v63  }
0x101: {  	v3 =	vld [tilespmem:$0xF0];
	_ =	sdelay $0x4  }
0x102: {  	v63 =	vshll.u32 v3, $0x2  }
0x103: {  	v3 =	vand.u32 $0x7, v3;
	v4 =	vand.u32 $0xFFFFFFE0, v63  }
0x104: {  	v3 =	vor.u32 v3, v4  }
0x105: {  	v4 =	vperm.xlane v3, v0;
	_ =	sdelay $0x1  }
0x106: {  	v4 =	vadd.s32 v1, v4;
	_ =	sdelay $0x1  }
0x107: {  	v3 =	vperm.xlane v3, v2;
	_ =	sdelay $0x1  }
0x108: {  	s17 =	simm.s32 $0xE100;
	v3 =	vadd.s32 v1, v3  }
0x109: {  	[hbm4b:s3+s2] =	stream.indirect_vreg.scatter [tilespmem:s17], [sflag:$0x2], $0x80, v4, vm0, $0xb8;
	[tilespmem:$0x10100] =	vst v63  }
0x10a: {  	s16 =	simm.s32 $0xE900  }
0x10b: {  	[hbm4b:s4+s2] =	stream.indirect_vreg.scatter [tilespmem:s16], [sflag:$0x2], $0x80, v4, vm0, $0xb8;
	[tilespmem:$0x10100] =	vst v63  }
0x10c: {  	s17 =	simm.s32 $0xF100  }
0x10d: {  	[hbm4b:s3+s2] =	stream.indirect_vreg.scatter [tilespmem:s17], [sflag:$0x2], $0x80, v3, vm0, $0xb8;
	[tilespmem:$0x10100] =	vst v63  }
0x10e: {  	s16 =	simm.s32 $0x1  }
0x10f: {  	[hbm4b:s4+s2] =	stream.indirect_vreg.scatter [tilespmem:s0], [sflag:$0x2], $0x80, v3, vm0, $0xb8;
	[tilespmem:$0x10100] =	vst v63  }
0x110: {  	p0 =	sne.s32 s5, $0x1;
	_ =	swait.ge [sflag:s16], $0x10000  }
.Ltmp0:
0x111: {  	[sflag:s16] =	ssyncset.done $0x0;
	(pc) =	sbr.rel @p0 .LBB2_1-.Ltmp0, $4  }
0x112: {  	s17 =	simm.s32 $0x2;
	[sflag:s16] =	ssyncadd.s32 $0xFFFF0000  }
0x113: {  	_ =	swait.ge [sflag:s17], $0x10000  }
0x114: {  	[sflag:s17] =	ssyncset.done $0x0  }
0x115: {  	s5 =	sadd.s32 $0xFFFFFFFF, s5;
	[sflag:s17] =	ssyncadd.s32 $0xFFFF0000  }
0x116: {  	_ =	sfence.sel $0x180000  }
0x117: {  	[bflag:$0x0] =	sbarrier.arrive $0xFFFF  }
0x118: {  	_ =	strace $0x90000047  }
0x119: {  	s0 =	stileid.u32;
	[bflag:$0x2] =	sbarrier.arrive $0xFFFF  }
0x11a: {  	p0 =	sne.s32 s0, $0x0;
	s0 =	rddreg [dreg:$0x2]  }
0x11b: {  	s0 =	sadd.s32 @!p0 $0x100000, s0  }
0x11c: {  	[sflag:s0] =	ssyncadd.tile.s32 @!p0 $0x1;
	_ =	shalt  }
.Lfunc_end2:
_tile_overlayer_lowered:
.L_overlay_start_2:
0x11d: {  	(tag) =	ssettag $0x2  }
0x11e: {  	s0 =	rddreg [dreg:$0x0];
	s2 =	stileid.u32  }
0x11f: {  	s1 =	rddreg [dreg:$0x1];
	p0 =	sne.s32 s2, $0x0  }
0x120: {  	s3 =	rddreg [dreg:$0x2];
	[bflag:$0x3] =	sbarrier.arrive $0xFFFF;
	s2 =	simm.s32 @!p0 $0x1C03  }
0x121: {  	[timem:s3], [sflag:s2] =	dma.local @!p0 [hbm:s0], s1  }
0x122: {  	s0 =	simm.s32 @!p0 $0x3  }
0x123: {  	_ =	swait.ge @!p0 [sflag:s0], s1  }
0x124: {  	s1 =	ssub.s32 @!p0 $0x0, s1;
	[sflag:s0] =	ssyncset.done @!p0 $0x0  }
0x125: {  	[sflag:s0] =	ssyncadd.s32 @!p0 s1  }
0x126: {  	[bflag:$0x3] =	sbarrier.arrive $0xFFFF  }
0x127: {  	_ =	shalt  }

</sc_bundles>
